<compile_context>
chip_gen: v7x
topology: tpu7x:2x2x1
jax: 0.10.2.dev20260603
libtpu: 0.0.44.dev20260713+nightly
codegen_flags: <defaults>
</compile_context>

<pallas_src>
import functools

import jax
import jax.numpy as jnp
from jax import lax
from jax.experimental import pallas as pl
from jax.experimental.pallas import tpu as pltpu
from jax.experimental.pallas import tpu_sc as plsc

B, Q, L = 16, 5000, 256
QBLK = 512
QPAD = 5120
NLANE = 16
BLKSZ = QPAD // NLANE
NVREG = QPAD // NLANE


def _scores_body(pm_ref, logits_ref, out_ref):
    pos = pm_ref[...] > 1e-6
    logits = logits_ref[...]
    sig = jax.nn.sigmoid(logits)
    masked = jnp.where(pos[:, None, :], sig, 0.0)
    score = jnp.max(masked, axis=-1)
    qid = pl.program_id(0) * QBLK + lax.broadcasted_iota(jnp.int32, (B, QBLK), 1)
    out_ref[...] = jnp.where(qid < Q, score, 0.0)


def _scores(pred_logits, positive_map):
    return pl.pallas_call(
        _scores_body,
        grid=(QPAD // QBLK,),
        in_specs=[
            pl.BlockSpec((B, L), lambda q: (0, 0)),
            pl.BlockSpec((B, QBLK, L), lambda q: (0, q, 0)),
        ],
        out_specs=pl.BlockSpec((B, QBLK), lambda q: (0, q)),
        out_shape=jax.ShapeDtypeStruct((B, QPAD), jnp.float32),
    )(positive_map, pred_logits)


def _sort_gather_body(scores_hbm, boxes_hbm, tsw_hbm, tsh_hbm,
                      out_hbm,
                      kA, iA, kB, iB, hist, bx, ov, tsw, tsh):
    wid = lax.axis_index("s") * 2 + lax.axis_index("c")

    @pl.when(wid < B)
    def _():
        lanes = lax.iota(jnp.int32, NLANE)
        ones = jnp.ones((NLANE,), jnp.int32)

        pltpu.sync_copy(scores_hbm.at[wid], kA)
        pltpu.sync_copy(boxes_hbm.at[wid], bx)
        pltpu.sync_copy(tsw_hbm.at[wid], tsw)
        pltpu.sync_copy(tsh_hbm.at[wid], tsh)
        img_w = tsw[pl.ds(0, NLANE)]
        img_h = tsh[pl.ds(0, NLANE)]

        @plsc.parallel_loop(0, NVREG, unroll=8)
        def init_idx(i):
            iA[pl.ds(i * NLANE, NLANE)] = lanes + i * NLANE

        gblock = lanes * BLKSZ
        for p in range(4):
            src_k, src_i = (kA, iA) if p % 2 == 0 else (kB, iB)
            dst_k, dst_i = (kB, iB) if p % 2 == 0 else (kA, iA)
            shift = 8 * p

            @plsc.parallel_loop(0, 256, unroll=8)
            def zero_hist(i):
                hist[pl.ds(i * NLANE, NLANE)] = jnp.zeros((NLANE,), jnp.int32)

            @plsc.parallel_loop(0, BLKSZ, unroll=4)
            def histo(t):
                kv = plsc.load_gather(src_k, [gblock + t])
                d = 255 - ((plsc.bitcast(kv, jnp.int32) >> shift) & 0xFF)
                plsc.addupdate_scatter(hist, [d * NLANE + lanes], ones)

            def scan(i, carry):
                v = hist[pl.ds(i * NLANE, NLANE)]
                cum = plsc.cumsum(v)
                hist[pl.ds(i * NLANE, NLANE)] = cum - v + carry
                return carry + cum[NLANE - 1]
            lax.fori_loop(0, 256, scan, jnp.int32(0))

            def permute(t, _):
                gidx = gblock + t
                kv = plsc.load_gather(src_k, [gidx])
                iv = plsc.load_gather(src_i, [gidx])
                d = 255 - ((plsc.bitcast(kv, jnp.int32) >> shift) & 0xFF)
                slot = d * NLANE + lanes
                pos = plsc.load_gather(hist, [slot])
                plsc.addupdate_scatter(hist, [slot], ones)
                plsc.store_scatter(dst_k, [pos], kv)
                plsc.store_scatter(dst_i, [pos], iv)
                return 0
            lax.fori_loop(0, BLKSZ, permute, 0)

        @plsc.parallel_loop(0, NVREG, unroll=4)
        def gather(i):
            si = iA[pl.ds(i * NLANE, NLANE)] * 4
            cx = plsc.load_gather(bx, [si])
            cy = plsc.load_gather(bx, [si + 1])
            w = plsc.load_gather(bx, [si + 2])
            h = plsc.load_gather(bx, [si + 3])
            sl = pl.ds(i * NLANE, NLANE)
            ov[0, sl] = (cx - 0.5 * w) * img_w
            ov[1, sl] = (cy - 0.5 * h) * img_h
            ov[2, sl] = (cx + 0.5 * w) * img_w
            ov[3, sl] = (cy + 0.5 * h) * img_h

        pltpu.sync_copy(ov, out_hbm.at[wid])


def _sort_gather(scores, pred_boxes, target_sizes):
    mesh = plsc.VectorSubcoreMesh(core_axis_name="c", subcore_axis_name="s")
    kern = pl.kernel(
        _sort_gather_body,
        mesh=mesh,
        compiler_params=pltpu.CompilerParams(needs_layout_passes=False),
        out_type=jax.ShapeDtypeStruct((B, 4, QPAD), jnp.float32),
        scratch_types=[
            pltpu.VMEM((QPAD,), jnp.float32),
            pltpu.VMEM((QPAD,), jnp.int32),
            pltpu.VMEM((QPAD,), jnp.float32),
            pltpu.VMEM((QPAD,), jnp.int32),
            pltpu.VMEM((256 * NLANE,), jnp.int32),
            pltpu.VMEM((QPAD * 4,), jnp.float32),
            pltpu.VMEM((4, QPAD), jnp.float32),
            pltpu.VMEM((128,), jnp.float32),
            pltpu.VMEM((128,), jnp.float32),
        ],
    )
    tsw = jnp.broadcast_to(target_sizes[:, 1:2], (B, 128))
    tsh = jnp.broadcast_to(target_sizes[:, 0:1], (B, 128))
    boxes_flat = jnp.pad(pred_boxes.reshape(B, Q * 4), ((0, 0), (0, (QPAD - Q) * 4)))
    return kern(scores, boxes_flat, tsw, tsh)


def kernel(pred_logits, pred_boxes, target_sizes, positive_map, items_per_batch_element):
    scores = _scores(pred_logits, positive_map)
    out_t = _sort_gather(scores, pred_boxes, target_sizes)
    return out_t.transpose(0, 2, 1)[:, :Q, :]

# --- scband reference (transcript-rebuilt; emitter-appended) ---
"""Pipeline reference for scband-post-process-flickr-66606352827127 (READ-ONLY COPY).

The authoritative reference and input builder live on the scoring server;
editing this copy changes nothing except your own understanding.
"""

import jax, jax.numpy as jnp
import numpy as np

B, Q, L, P = 16, 5000, 256, 16


def setup_inputs(seed: int = 0) -> dict:
    key = jax.random.key(seed)
    k1, k2, k3, k4 = jax.random.split(key, 4)
    pred_logits = jax.random.normal(k1, (B, Q, L), dtype=jnp.float32)
    pred_boxes = jax.random.uniform(k2, (B, Q, 4), dtype=jnp.float32)
    target_sizes = jax.random.uniform(k3, (B, 2), dtype=jnp.float32) * 800.0 + 200.0
    positive_map = jax.random.uniform(k4, (P, L), dtype=jnp.float32)
    items_per_batch_element = jnp.ones((B,), dtype=jnp.int32)
    return {
        'pred_logits': pred_logits,
        'pred_boxes': pred_boxes,
        'target_sizes': target_sizes,
        'positive_map': positive_map,
        'items_per_batch_element': items_per_batch_element,
    }


def box_cxcywh_to_xyxy(b):
    cx = b[..., 0:1]
    cy = b[..., 1:2]
    w = b[..., 2:3]
    h = b[..., 3:4]
    return jnp.concatenate([cx - 0.5 * w, cy - 0.5 * h, cx + 0.5 * w, cy + 0.5 * h], axis=-1)


def reference(pred_logits, pred_boxes, target_sizes, positive_map, items_per_batch_element):
    # focal_loss=True path: sigmoid probabilities
    prob = jax.nn.sigmoid(pred_logits)
    boxes = box_cxcywh_to_xyxy(pred_boxes)
    img_h = target_sizes[:, 0]
    img_w = target_sizes[:, 1]
    scale_fct = jnp.stack([img_w, img_h, img_w, img_h], axis=1)
    boxes = boxes * scale_fct[:, None, :]
    # map each (collapsed) phrase to its batch element via cumsum of items
    num_phrases = positive_map.shape[0]
    cum_items = jnp.cumsum(items_per_batch_element)
    phrase_to_batch = jnp.searchsorted(cum_items, jnp.arange(num_phrases), side='right')
    pos = (positive_map > 1e-06).astype(prob.dtype)  # [P, L]
    prob_p = jnp.take(prob, phrase_to_batch, axis=0)  # [P, Q, L] gather
    scores = jnp.max(pos[:, None, :] * prob_p, axis=-1)  # [P, Q]
    order = jnp.argsort(-scores, axis=-1)  # descending sort per phrase
    boxes_p = jnp.take(boxes, phrase_to_batch, axis=0)  # [P, Q, 4]
    sorted_boxes = jnp.take_along_axis(boxes_p, order[..., None], axis=1)  # [P, Q, 4]
    return sorted_boxes

if __name__ == "__main__":
    import jax
    _d = setup_inputs()
    print(jax.jit(kernel)(*tuple(_d.values())))

</pallas_src>

<mosaic_0001>
#map = affine_map<(d0, d1) -> (0, 0)>
#map1 = affine_map<(d0, d1) -> (0, 0, 0)>
module attributes {stable_mosaic.version = 14 : i64} {
  func.func @_sort_gather_body(%arg0: i32, %arg1: i32, %arg2: memref<16x5120xf32, #tpu.memory_space<hbm>>, %arg3: memref<16x20480xf32, #tpu.memory_space<hbm>>, %arg4: memref<16x128xf32, #tpu.memory_space<hbm>>, %arg5: memref<16x128xf32, #tpu.memory_space<hbm>>, %arg6: memref<16x4x5120xf32, #tpu.memory_space<hbm>>, %arg7: memref<5120xf32, #tpu.memory_space<vmem>>, %arg8: memref<5120xi32, #tpu.memory_space<vmem>>, %arg9: memref<5120xf32, #tpu.memory_space<vmem>>, %arg10: memref<5120xi32, #tpu.memory_space<vmem>>, %arg11: memref<4096xi32, #tpu.memory_space<vmem>>, %arg12: memref<20480xf32, #tpu.memory_space<vmem>>, %arg13: memref<4x5120xf32, #tpu.memory_space<vmem>>, %arg14: memref<128xf32, #tpu.memory_space<vmem>>, %arg15: memref<128xf32, #tpu.memory_space<vmem>>) attributes {dimension_semantics = [#tpu.dimension_semantics<core_parallel>, #tpu.dimension_semantics<subcore_parallel>], iteration_bounds = array<i64: 2, 16>, scalar_prefetch = 0 : i64, scratch_operands = 9 : i64, tpu.core_type = #tpu.core_type<sc_vector_subcore>, window_params = [{transform_indices = #map}, {transform_indices = #map}, {transform_indices = #map}, {transform_indices = #map}, {transform_indices = #map1}]} {
    %mul3A = arith.constant 2 : i32
    %mul3A_0 = arith.muli %arg1, %mul3A : i32
    %add3A = arith.addi %mul3A_0, %arg0 : i32
    %lt3A = arith.constant 16 : i32
    %lt3A_1 = arith.cmpi slt, %add3A, %lt3A : i32
    %convert_element_type3A = arith.extui %lt3A_1 : i1 to i32
    %cond3A = arith.constant 0 : i32
    %cond3A_2 = arith.cmpi ne, %convert_element_type3A, %cond3A : i32
    scf.if %cond3A_2 {
      %iota3A = tpu.iota {dimensions = array<i32: 0>} : vector<16xi32>
      %broadcast_in_dim3A = arith.constant 1 : i32
      %broadcast_in_dim3A_3 = vector.broadcast %broadcast_in_dim3A : i32 to vector<16xi32>
      "tpu.region"() ({
        %run_scoped3A = tpu.sem_alloc : memref<!tpu.dma_semaphore, #tpu.memory_space<semaphore_mem>>
        %dma_start3A = arith.constant 0 : i32
        %dma_start3A_94 = tpu.memref_slice %arg2[%add3A, %dma_start3A] : memref<16x5120xf32, #tpu.memory_space<hbm>> -> memref<1x5120xf32, #tpu.memory_space<hbm>>
        %dma_start3A_95 = tpu.memref_squeeze %dma_start3A_94 : memref<1x5120xf32, #tpu.memory_space<hbm>> -> memref<5120xf32, #tpu.memory_space<hbm>>
        %dma_start3A_96 = arith.constant 0 : i32
        %dma_start3A_97 = tpu.memref_slice %arg2[%add3A, %dma_start3A_96] : memref<16x5120xf32, #tpu.memory_space<hbm>> -> memref<1x5120xf32, #tpu.memory_space<hbm>>
        %dma_start3A_98 = tpu.memref_squeeze %dma_start3A_97 : memref<1x5120xf32, #tpu.memory_space<hbm>> -> memref<5120xf32, #tpu.memory_space<hbm>>
        tpu.enqueue_dma source(%dma_start3A_98 : memref<5120xf32, #tpu.memory_space<hbm>>) target(%arg7 : memref<5120xf32, #tpu.memory_space<vmem>>) target_semaphore(%run_scoped3A : memref<!tpu.dma_semaphore, #tpu.memory_space<semaphore_mem>>)
        %dma_wait3A = arith.constant 0 : i32
        %dma_wait3A_99 = tpu.memref_slice %arg2[%add3A, %dma_wait3A] : memref<16x5120xf32, #tpu.memory_space<hbm>> -> memref<1x5120xf32, #tpu.memory_space<hbm>>
        %dma_wait3A_100 = tpu.memref_squeeze %dma_wait3A_99 : memref<1x5120xf32, #tpu.memory_space<hbm>> -> memref<5120xf32, #tpu.memory_space<hbm>>
        %dma_wait3A_101 = arith.constant 0 : i32
        %dma_wait3A_102 = tpu.memref_slice %arg2[%add3A, %dma_wait3A_101] : memref<16x5120xf32, #tpu.memory_space<hbm>> -> memref<1x5120xf32, #tpu.memory_space<hbm>>
        %dma_wait3A_103 = tpu.memref_squeeze %dma_wait3A_102 : memref<1x5120xf32, #tpu.memory_space<hbm>> -> memref<5120xf32, #tpu.memory_space<hbm>>
        tpu.wait_dma2 semaphore(%run_scoped3A : memref<!tpu.dma_semaphore, #tpu.memory_space<semaphore_mem>>) src(%dma_wait3A_103 : memref<5120xf32, #tpu.memory_space<hbm>>) dst(%arg7 : memref<5120xf32, #tpu.memory_space<vmem>>)
        tpu.yield
      }) : () -> ()
      "tpu.region"() ({
        %run_scoped3A = tpu.sem_alloc : memref<!tpu.dma_semaphore, #tpu.memory_space<semaphore_mem>>
        %dma_start3A = arith.constant 0 : i32
        %dma_start3A_94 = tpu.memref_slice %arg3[%add3A, %dma_start3A] : memref<16x20480xf32, #tpu.memory_space<hbm>> -> memref<1x20480xf32, #tpu.memory_space<hbm>>
        %dma_start3A_95 = tpu.memref_squeeze %dma_start3A_94 : memref<1x20480xf32, #tpu.memory_space<hbm>> -> memref<20480xf32, #tpu.memory_space<hbm>>
        %dma_start3A_96 = arith.constant 0 : i32
        %dma_start3A_97 = tpu.memref_slice %arg3[%add3A, %dma_start3A_96] : memref<16x20480xf32, #tpu.memory_space<hbm>> -> memref<1x20480xf32, #tpu.memory_space<hbm>>
        %dma_start3A_98 = tpu.memref_squeeze %dma_start3A_97 : memref<1x20480xf32, #tpu.memory_space<hbm>> -> memref<20480xf32, #tpu.memory_space<hbm>>
        tpu.enqueue_dma source(%dma_start3A_98 : memref<20480xf32, #tpu.memory_space<hbm>>) target(%arg12 : memref<20480xf32, #tpu.memory_space<vmem>>) target_semaphore(%run_scoped3A : memref<!tpu.dma_semaphore, #tpu.memory_space<semaphore_mem>>)
        %dma_wait3A = arith.constant 0 : i32
        %dma_wait3A_99 = tpu.memref_slice %arg3[%add3A, %dma_wait3A] : memref<16x20480xf32, #tpu.memory_space<hbm>> -> memref<1x20480xf32, #tpu.memory_space<hbm>>
        %dma_wait3A_100 = tpu.memref_squeeze %dma_wait3A_99 : memref<1x20480xf32, #tpu.memory_space<hbm>> -> memref<20480xf32, #tpu.memory_space<hbm>>
        %dma_wait3A_101 = arith.constant 0 : i32
        %dma_wait3A_102 = tpu.memref_slice %arg3[%add3A, %dma_wait3A_101] : memref<16x20480xf32, #tpu.memory_space<hbm>> -> memref<1x20480xf32, #tpu.memory_space<hbm>>
        %dma_wait3A_103 = tpu.memref_squeeze %dma_wait3A_102 : memref<1x20480xf32, #tpu.memory_space<hbm>> -> memref<20480xf32, #tpu.memory_space<hbm>>
        tpu.wait_dma2 semaphore(%run_scoped3A : memref<!tpu.dma_semaphore, #tpu.memory_space<semaphore_mem>>) src(%dma_wait3A_103 : memref<20480xf32, #tpu.memory_space<hbm>>) dst(%arg12 : memref<20480xf32, #tpu.memory_space<vmem>>)
        tpu.yield
      }) : () -> ()
      "tpu.region"() ({
        %run_scoped3A = tpu.sem_alloc : memref<!tpu.dma_semaphore, #tpu.memory_space<semaphore_mem>>
        %dma_start3A = arith.constant 0 : i32
        %dma_start3A_94 = tpu.memref_slice %arg4[%add3A, %dma_start3A] : memref<16x128xf32, #tpu.memory_space<hbm>> -> memref<1x128xf32, #tpu.memory_space<hbm>>
        %dma_start3A_95 = tpu.memref_squeeze %dma_start3A_94 : memref<1x128xf32, #tpu.memory_space<hbm>> -> memref<128xf32, #tpu.memory_space<hbm>>
        %dma_start3A_96 = arith.constant 0 : i32
        %dma_start3A_97 = tpu.memref_slice %arg4[%add3A, %dma_start3A_96] : memref<16x128xf32, #tpu.memory_space<hbm>> -> memref<1x128xf32, #tpu.memory_space<hbm>>
        %dma_start3A_98 = tpu.memref_squeeze %dma_start3A_97 : memref<1x128xf32, #tpu.memory_space<hbm>> -> memref<128xf32, #tpu.memory_space<hbm>>
        tpu.enqueue_dma source(%dma_start3A_98 : memref<128xf32, #tpu.memory_space<hbm>>) target(%arg14 : memref<128xf32, #tpu.memory_space<vmem>>) target_semaphore(%run_scoped3A : memref<!tpu.dma_semaphore, #tpu.memory_space<semaphore_mem>>)
        %dma_wait3A = arith.constant 0 : i32
        %dma_wait3A_99 = tpu.memref_slice %arg4[%add3A, %dma_wait3A] : memref<16x128xf32, #tpu.memory_space<hbm>> -> memref<1x128xf32, #tpu.memory_space<hbm>>
        %dma_wait3A_100 = tpu.memref_squeeze %dma_wait3A_99 : memref<1x128xf32, #tpu.memory_space<hbm>> -> memref<128xf32, #tpu.memory_space<hbm>>
        %dma_wait3A_101 = arith.constant 0 : i32
        %dma_wait3A_102 = tpu.memref_slice %arg4[%add3A, %dma_wait3A_101] : memref<16x128xf32, #tpu.memory_space<hbm>> -> memref<1x128xf32, #tpu.memory_space<hbm>>
        %dma_wait3A_103 = tpu.memref_squeeze %dma_wait3A_102 : memref<1x128xf32, #tpu.memory_space<hbm>> -> memref<128xf32, #tpu.memory_space<hbm>>
        tpu.wait_dma2 semaphore(%run_scoped3A : memref<!tpu.dma_semaphore, #tpu.memory_space<semaphore_mem>>) src(%dma_wait3A_103 : memref<128xf32, #tpu.memory_space<hbm>>) dst(%arg14 : memref<128xf32, #tpu.memory_space<vmem>>)
        tpu.yield
      }) : () -> ()
      "tpu.region"() ({
        %run_scoped3A = tpu.sem_alloc : memref<!tpu.dma_semaphore, #tpu.memory_space<semaphore_mem>>
        %dma_start3A = arith.constant 0 : i32
        %dma_start3A_94 = tpu.memref_slice %arg5[%add3A, %dma_start3A] : memref<16x128xf32, #tpu.memory_space<hbm>> -> memref<1x128xf32, #tpu.memory_space<hbm>>
        %dma_start3A_95 = tpu.memref_squeeze %dma_start3A_94 : memref<1x128xf32, #tpu.memory_space<hbm>> -> memref<128xf32, #tpu.memory_space<hbm>>
        %dma_start3A_96 = arith.constant 0 : i32
        %dma_start3A_97 = tpu.memref_slice %arg5[%add3A, %dma_start3A_96] : memref<16x128xf32, #tpu.memory_space<hbm>> -> memref<1x128xf32, #tpu.memory_space<hbm>>
        %dma_start3A_98 = tpu.memref_squeeze %dma_start3A_97 : memref<1x128xf32, #tpu.memory_space<hbm>> -> memref<128xf32, #tpu.memory_space<hbm>>
        tpu.enqueue_dma source(%dma_start3A_98 : memref<128xf32, #tpu.memory_space<hbm>>) target(%arg15 : memref<128xf32, #tpu.memory_space<vmem>>) target_semaphore(%run_scoped3A : memref<!tpu.dma_semaphore, #tpu.memory_space<semaphore_mem>>)
        %dma_wait3A = arith.constant 0 : i32
        %dma_wait3A_99 = tpu.memref_slice %arg5[%add3A, %dma_wait3A] : memref<16x128xf32, #tpu.memory_space<hbm>> -> memref<1x128xf32, #tpu.memory_space<hbm>>
        %dma_wait3A_100 = tpu.memref_squeeze %dma_wait3A_99 : memref<1x128xf32, #tpu.memory_space<hbm>> -> memref<128xf32, #tpu.memory_space<hbm>>
        %dma_wait3A_101 = arith.constant 0 : i32
        %dma_wait3A_102 = tpu.memref_slice %arg5[%add3A, %dma_wait3A_101] : memref<16x128xf32, #tpu.memory_space<hbm>> -> memref<1x128xf32, #tpu.memory_space<hbm>>
        %dma_wait3A_103 = tpu.memref_squeeze %dma_wait3A_102 : memref<1x128xf32, #tpu.memory_space<hbm>> -> memref<128xf32, #tpu.memory_space<hbm>>
        tpu.wait_dma2 semaphore(%run_scoped3A : memref<!tpu.dma_semaphore, #tpu.memory_space<semaphore_mem>>) src(%dma_wait3A_103 : memref<128xf32, #tpu.memory_space<hbm>>) dst(%arg15 : memref<128xf32, #tpu.memory_space<vmem>>)
        tpu.yield
      }) : () -> ()
      %get3A = arith.constant 0 : index
      %get3A_4 = tpu.vector_load %arg14[%get3A] {strides = array<i32>} : memref<128xf32, #tpu.memory_space<vmem>>, vector<16xf32>,
      %get3A_5 = arith.constant 0 : index
      %get3A_6 = tpu.vector_load %arg15[%get3A_5] {strides = array<i32>} : memref<128xf32, #tpu.memory_space<vmem>>, vector<16xf32>,
      %parallel_loop3A = arith.constant 0 : i32
      %parallel_loop3A_7 = arith.constant 320 : i32
      %parallel_loop3A_8 = arith.constant 1 : i32
      scf.for %parallel_loop3A_94 = %parallel_loop3A to %parallel_loop3A_7 step %parallel_loop3A_8  : i32 {
        %parallel_loop3A_95 = arith.constant 16 : i32
        %parallel_loop3A_96 = arith.muli %parallel_loop3A_94, %parallel_loop3A_95 : i32
        %parallel_loop3A_97 = vector.broadcast %parallel_loop3A_96 : i32 to vector<16xi32>
        %parallel_loop3A_98 = arith.addi %iota3A, %parallel_loop3A_97 : vector<16xi32>
        %parallel_loop3A_99 = arith.constant 16 : i32
        %parallel_loop3A_100 = arith.muli %parallel_loop3A_94, %parallel_loop3A_99 : i32
        %parallel_loop3A_101 = arith.index_cast %parallel_loop3A_100 : i32 to index
        %parallel_loop3A_102 = tpu.vector_load %arg8[%parallel_loop3A_101] {strides = array<i32>} : memref<5120xi32, #tpu.memory_space<vmem>>, vector<16xi32>,
        tpu.vector_store %arg8[%parallel_loop3A_101], %parallel_loop3A_98 {strides = array<i32>} : memref<5120xi32, #tpu.memory_space<vmem>>, vector<16xi32>,
      } {sc.loop_unroll_factor = 8 : i64, sc.parallel_access}
      %mul3A_9 = arith.constant 320 : i32
      %mul3A_10 = vector.broadcast %mul3A_9 : i32 to vector<16xi32>
      %mul3A_11 = arith.muli %iota3A, %mul3A_10 : vector<16xi32>
      %parallel_loop3A_12 = arith.constant 0 : i32
      %parallel_loop3A_13 = arith.constant 256 : i32
      %parallel_loop3A_14 = arith.constant 1 : i32
      scf.for %parallel_loop3A_94 = %parallel_loop3A_12 to %parallel_loop3A_13 step %parallel_loop3A_14  : i32 {
        %parallel_loop3A_95 = arith.constant 0 : i32
        %parallel_loop3A_96 = vector.broadcast %parallel_loop3A_95 : i32 to vector<16xi32>
        %parallel_loop3A_97 = arith.constant 16 : i32
        %parallel_loop3A_98 = arith.muli %parallel_loop3A_94, %parallel_loop3A_97 : i32
        %parallel_loop3A_99 = arith.index_cast %parallel_loop3A_98 : i32 to index
        %parallel_loop3A_100 = tpu.vector_load %arg11[%parallel_loop3A_99] {strides = array<i32>} : memref<4096xi32, #tpu.memory_space<vmem>>, vector<16xi32>,
        tpu.vector_store %arg11[%parallel_loop3A_99], %parallel_loop3A_96 {strides = array<i32>} : memref<4096xi32, #tpu.memory_space<vmem>>, vector<16xi32>,
      } {sc.loop_unroll_factor = 8 : i64, sc.parallel_access}
      %parallel_loop3A_15 = arith.constant 0 : i32
      %parallel_loop3A_16 = arith.constant 320 : i32
      %parallel_loop3A_17 = arith.constant 1 : i32
      scf.for %parallel_loop3A_94 = %parallel_loop3A_15 to %parallel_loop3A_16 step %parallel_loop3A_17  : i32 {
        %parallel_loop3A_95 = vector.broadcast %parallel_loop3A_94 : i32 to vector<16xi32>
        %parallel_loop3A_96 = arith.addi %mul3A_11, %parallel_loop3A_95 : vector<16xi32>
        %parallel_loop3A_97 = tpu.vector_load_idx %arg7[%parallel_loop3A_96] : memref<5120xf32, #tpu.memory_space<vmem>>[vector<16xi32>], vector<16xf32>,
        %parallel_loop3A_98 = vector.bitcast %parallel_loop3A_97 : vector<16xf32> to vector<16xi32>
        %parallel_loop3A_99 = arith.constant 0 : i32
        %parallel_loop3A_100 = vector.broadcast %parallel_loop3A_99 : i32 to vector<16xi32>
        %parallel_loop3A_101 = arith.shrsi %parallel_loop3A_98, %parallel_loop3A_100 : vector<16xi32>
        %parallel_loop3A_102 = arith.constant 255 : i32
        %parallel_loop3A_103 = vector.broadcast %parallel_loop3A_102 : i32 to vector<16xi32>
        %parallel_loop3A_104 = arith.andi %parallel_loop3A_101, %parallel_loop3A_103 : vector<16xi32>
        %parallel_loop3A_105 = arith.constant 255 : i32
        %parallel_loop3A_106 = vector.broadcast %parallel_loop3A_105 : i32 to vector<16xi32>
        %parallel_loop3A_107 = arith.subi %parallel_loop3A_106, %parallel_loop3A_104 : vector<16xi32>
        %parallel_loop3A_108 = arith.constant 16 : i32
        %parallel_loop3A_109 = vector.broadcast %parallel_loop3A_108 : i32 to vector<16xi32>
        %parallel_loop3A_110 = arith.muli %parallel_loop3A_107, %parallel_loop3A_109 : vector<16xi32>
        %parallel_loop3A_111 = arith.addi %parallel_loop3A_110, %iota3A : vector<16xi32>
        tpu.vector_store_idx %arg11[%parallel_loop3A_111], %broadcast_in_dim3A_3 {add = true} : memref<4096xi32, #tpu.memory_space<vmem>>[vector<16xi32>], vector<16xi32>,
      } {sc.loop_unroll_factor = 4 : i64, sc.parallel_access}
      %scan3A = arith.constant 0 : i32
      %scan3A_18 = arith.constant 0 : i32
      %scan3A_19 = arith.constant 256 : i32
      %scan3A_20 = arith.addi %scan3A_18, %scan3A_19 : i32
      %scan3A_21 = arith.constant 1 : i32
      %scan3A_22 = scf.for %scan3A_94 = %scan3A_18 to %scan3A_20 step %scan3A_21 iter_args(%scan3A_95 = %scan3A) -> (i32)  : i32 {
        %mul3A_96 = arith.constant 16 : i32
        %mul3A_97 = arith.muli %scan3A_94, %mul3A_96 : i32
        %get3A_98 = arith.index_cast %mul3A_97 : i32 to index
        %get3A_99 = tpu.vector_load %arg11[%get3A_98] {strides = array<i32>} : memref<4096xi32, #tpu.memory_space<vmem>>, vector<16xi32>,
        %broadcast_in_dim3A_100 = arith.constant true
        %broadcast_in_dim3A_101 = vector.broadcast %broadcast_in_dim3A_100 : i1 to vector<16xi1>
        %masked_cumsum3A = tpu.scan <sum>, %get3A_99 masked %broadcast_in_dim3A_101 : vector<16xi32>, vector<16xi1> -> vector<16xi32>
        %sub3A = arith.subi %masked_cumsum3A, %get3A_99 : vector<16xi32>
        %add3A_102 = vector.broadcast %scan3A_95 : i32 to vector<16xi32>
        %add3A_103 = arith.addi %sub3A, %add3A_102 : vector<16xi32>
        %mul3A_104 = arith.constant 16 : i32
        %mul3A_105 = arith.muli %scan3A_94, %mul3A_104 : i32
        %swap3A = arith.index_cast %mul3A_105 : i32 to index
        %swap3A_106 = tpu.vector_load %arg11[%swap3A] {strides = array<i32>} : memref<4096xi32, #tpu.memory_space<vmem>>, vector<16xi32>,
        tpu.vector_store %arg11[%swap3A], %add3A_103 {strides = array<i32>} : memref<4096xi32, #tpu.memory_space<vmem>>, vector<16xi32>,
        %slice3A = vector.extract_strided_slice %masked_cumsum3A {offsets = [15], sizes = [1], strides = [1]} : vector<16xi32> to vector<1xi32>
        %squeeze3A = vector.extract %slice3A[0] : i32 from vector<1xi32>
        %add3A_107 = arith.addi %scan3A_95, %squeeze3A : i32
        scf.yield %add3A_107 : i32
      }
      %scan3A_23 = arith.constant 256 : i32
      %scan3A_24 = arith.constant 0 : i32
      %scan3A_25 = arith.constant 0 : i32
      %scan3A_26 = arith.constant 320 : i32
      %scan3A_27 = arith.addi %scan3A_25, %scan3A_26 : i32
      %scan3A_28 = arith.constant 1 : i32
      %scan3A_29 = scf.for %scan3A_94 = %scan3A_25 to %scan3A_27 step %scan3A_28 iter_args(%scan3A_95 = %scan3A_24) -> (i32)  : i32 {
        %add3A_96 = vector.broadcast %scan3A_94 : i32 to vector<16xi32>
        %add3A_97 = arith.addi %mul3A_11, %add3A_96 : vector<16xi32>
        %gather3A = tpu.vector_load_idx %arg7[%add3A_97] : memref<5120xf32, #tpu.memory_space<vmem>>[vector<16xi32>], vector<16xf32>,
        %gather3A_98 = tpu.vector_load_idx %arg8[%add3A_97] : memref<5120xi32, #tpu.memory_space<vmem>>[vector<16xi32>], vector<16xi32>,
        %bitcast3A = vector.bitcast %gather3A : vector<16xf32> to vector<16xi32>
        %shift_right_arithmetic3A = arith.constant 0 : i32
        %shift_right_arithmetic3A_99 = vector.broadcast %shift_right_arithmetic3A : i32 to vector<16xi32>
        %shift_right_arithmetic3A_100 = arith.shrsi %bitcast3A, %shift_right_arithmetic3A_99 : vector<16xi32>
        %and3A = arith.constant 255 : i32
        %and3A_101 = vector.broadcast %and3A : i32 to vector<16xi32>
        %and3A_102 = arith.andi %shift_right_arithmetic3A_100, %and3A_101 : vector<16xi32>
        %sub3A = arith.constant 255 : i32
        %sub3A_103 = vector.broadcast %sub3A : i32 to vector<16xi32>
        %sub3A_104 = arith.subi %sub3A_103, %and3A_102 : vector<16xi32>
        %mul3A_105 = arith.constant 16 : i32
        %mul3A_106 = vector.broadcast %mul3A_105 : i32 to vector<16xi32>
        %mul3A_107 = arith.muli %sub3A_104, %mul3A_106 : vector<16xi32>
        %add3A_108 = arith.addi %mul3A_107, %iota3A : vector<16xi32>
        %gather3A_109 = tpu.vector_load_idx %arg11[%add3A_108] : memref<4096xi32, #tpu.memory_space<vmem>>[vector<16xi32>], vector<16xi32>,
        tpu.vector_store_idx %arg11[%add3A_108], %broadcast_in_dim3A_3 {add = true} : memref<4096xi32, #tpu.memory_space<vmem>>[vector<16xi32>], vector<16xi32>,
        tpu.vector_store_idx %arg9[%gather3A_109], %gather3A : memref<5120xf32, #tpu.memory_space<vmem>>[vector<16xi32>], vector<16xf32>,
        tpu.vector_store_idx %arg10[%gather3A_109], %gather3A_98 : memref<5120xi32, #tpu.memory_space<vmem>>[vector<16xi32>], vector<16xi32>,
        %scan3A_110 = arith.constant 0 : i32
        scf.yield %scan3A_110 : i32
      }
      %scan3A_30 = arith.constant 320 : i32
      %parallel_loop3A_31 = arith.constant 0 : i32
      %parallel_loop3A_32 = arith.constant 256 : i32
      %parallel_loop3A_33 = arith.constant 1 : i32
      scf.for %parallel_loop3A_94 = %parallel_loop3A_31 to %parallel_loop3A_32 step %parallel_loop3A_33  : i32 {
        %parallel_loop3A_95 = arith.constant 0 : i32
        %parallel_loop3A_96 = vector.broadcast %parallel_loop3A_95 : i32 to vector<16xi32>
        %parallel_loop3A_97 = arith.constant 16 : i32
        %parallel_loop3A_98 = arith.muli %parallel_loop3A_94, %parallel_loop3A_97 : i32
        %parallel_loop3A_99 = arith.index_cast %parallel_loop3A_98 : i32 to index
        %parallel_loop3A_100 = tpu.vector_load %arg11[%parallel_loop3A_99] {strides = array<i32>} : memref<4096xi32, #tpu.memory_space<vmem>>, vector<16xi32>,
        tpu.vector_store %arg11[%parallel_loop3A_99], %parallel_loop3A_96 {strides = array<i32>} : memref<4096xi32, #tpu.memory_space<vmem>>, vector<16xi32>,
      } {sc.loop_unroll_factor = 8 : i64, sc.parallel_access}
      %parallel_loop3A_34 = arith.constant 0 : i32
      %parallel_loop3A_35 = arith.constant 320 : i32
      %parallel_loop3A_36 = arith.constant 1 : i32
      scf.for %parallel_loop3A_94 = %parallel_loop3A_34 to %parallel_loop3A_35 step %parallel_loop3A_36  : i32 {
        %parallel_loop3A_95 = vector.broadcast %parallel_loop3A_94 : i32 to vector<16xi32>
        %parallel_loop3A_96 = arith.addi %mul3A_11, %parallel_loop3A_95 : vector<16xi32>
        %parallel_loop3A_97 = tpu.vector_load_idx %arg9[%parallel_loop3A_96] : memref<5120xf32, #tpu.memory_space<vmem>>[vector<16xi32>], vector<16xf32>,
        %parallel_loop3A_98 = vector.bitcast %parallel_loop3A_97 : vector<16xf32> to vector<16xi32>
        %parallel_loop3A_99 = arith.constant 8 : i32
        %parallel_loop3A_100 = vector.broadcast %parallel_loop3A_99 : i32 to vector<16xi32>
        %parallel_loop3A_101 = arith.shrsi %parallel_loop3A_98, %parallel_loop3A_100 : vector<16xi32>
        %parallel_loop3A_102 = arith.constant 255 : i32
        %parallel_loop3A_103 = vector.broadcast %parallel_loop3A_102 : i32 to vector<16xi32>
        %parallel_loop3A_104 = arith.andi %parallel_loop3A_101, %parallel_loop3A_103 : vector<16xi32>
        %parallel_loop3A_105 = arith.constant 255 : i32
        %parallel_loop3A_106 = vector.broadcast %parallel_loop3A_105 : i32 to vector<16xi32>
        %parallel_loop3A_107 = arith.subi %parallel_loop3A_106, %parallel_loop3A_104 : vector<16xi32>
        %parallel_loop3A_108 = arith.constant 16 : i32
        %parallel_loop3A_109 = vector.broadcast %parallel_loop3A_108 : i32 to vector<16xi32>
        %parallel_loop3A_110 = arith.muli %parallel_loop3A_107, %parallel_loop3A_109 : vector<16xi32>
        %parallel_loop3A_111 = arith.addi %parallel_loop3A_110, %iota3A : vector<16xi32>
        tpu.vector_store_idx %arg11[%parallel_loop3A_111], %broadcast_in_dim3A_3 {add = true} : memref<4096xi32, #tpu.memory_space<vmem>>[vector<16xi32>], vector<16xi32>,
      } {sc.loop_unroll_factor = 4 : i64, sc.parallel_access}
      %scan3A_37 = arith.constant 0 : i32
      %scan3A_38 = arith.constant 0 : i32
      %scan3A_39 = arith.constant 256 : i32
      %scan3A_40 = arith.addi %scan3A_38, %scan3A_39 : i32
      %scan3A_41 = arith.constant 1 : i32
      %scan3A_42 = scf.for %scan3A_94 = %scan3A_38 to %scan3A_40 step %scan3A_41 iter_args(%scan3A_95 = %scan3A_37) -> (i32)  : i32 {
        %mul3A_96 = arith.constant 16 : i32
        %mul3A_97 = arith.muli %scan3A_94, %mul3A_96 : i32
        %get3A_98 = arith.index_cast %mul3A_97 : i32 to index
        %get3A_99 = tpu.vector_load %arg11[%get3A_98] {strides = array<i32>} : memref<4096xi32, #tpu.memory_space<vmem>>, vector<16xi32>,
        %broadcast_in_dim3A_100 = arith.constant true
        %broadcast_in_dim3A_101 = vector.broadcast %broadcast_in_dim3A_100 : i1 to vector<16xi1>
        %masked_cumsum3A = tpu.scan <sum>, %get3A_99 masked %broadcast_in_dim3A_101 : vector<16xi32>, vector<16xi1> -> vector<16xi32>
        %sub3A = arith.subi %masked_cumsum3A, %get3A_99 : vector<16xi32>
        %add3A_102 = vector.broadcast %scan3A_95 : i32 to vector<16xi32>
        %add3A_103 = arith.addi %sub3A, %add3A_102 : vector<16xi32>
        %mul3A_104 = arith.constant 16 : i32
        %mul3A_105 = arith.muli %scan3A_94, %mul3A_104 : i32
        %swap3A = arith.index_cast %mul3A_105 : i32 to index
        %swap3A_106 = tpu.vector_load %arg11[%swap3A] {strides = array<i32>} : memref<4096xi32, #tpu.memory_space<vmem>>, vector<16xi32>,
        tpu.vector_store %arg11[%swap3A], %add3A_103 {strides = array<i32>} : memref<4096xi32, #tpu.memory_space<vmem>>, vector<16xi32>,
        %slice3A = vector.extract_strided_slice %masked_cumsum3A {offsets = [15], sizes = [1], strides = [1]} : vector<16xi32> to vector<1xi32>
        %squeeze3A = vector.extract %slice3A[0] : i32 from vector<1xi32>
        %add3A_107 = arith.addi %scan3A_95, %squeeze3A : i32
        scf.yield %add3A_107 : i32
      }
      %scan3A_43 = arith.constant 256 : i32
      %scan3A_44 = arith.constant 0 : i32
      %scan3A_45 = arith.constant 0 : i32
      %scan3A_46 = arith.constant 320 : i32
      %scan3A_47 = arith.addi %scan3A_45, %scan3A_46 : i32
      %scan3A_48 = arith.constant 1 : i32
      %scan3A_49 = scf.for %scan3A_94 = %scan3A_45 to %scan3A_47 step %scan3A_48 iter_args(%scan3A_95 = %scan3A_44) -> (i32)  : i32 {
        %add3A_96 = vector.broadcast %scan3A_94 : i32 to vector<16xi32>
        %add3A_97 = arith.addi %mul3A_11, %add3A_96 : vector<16xi32>
        %gather3A = tpu.vector_load_idx %arg9[%add3A_97] : memref<5120xf32, #tpu.memory_space<vmem>>[vector<16xi32>], vector<16xf32>,
        %gather3A_98 = tpu.vector_load_idx %arg10[%add3A_97] : memref<5120xi32, #tpu.memory_space<vmem>>[vector<16xi32>], vector<16xi32>,
        %bitcast3A = vector.bitcast %gather3A : vector<16xf32> to vector<16xi32>
        %shift_right_arithmetic3A = arith.constant 8 : i32
        %shift_right_arithmetic3A_99 = vector.broadcast %shift_right_arithmetic3A : i32 to vector<16xi32>
        %shift_right_arithmetic3A_100 = arith.shrsi %bitcast3A, %shift_right_arithmetic3A_99 : vector<16xi32>
        %and3A = arith.constant 255 : i32
        %and3A_101 = vector.broadcast %and3A : i32 to vector<16xi32>
        %and3A_102 = arith.andi %shift_right_arithmetic3A_100, %and3A_101 : vector<16xi32>
        %sub3A = arith.constant 255 : i32
        %sub3A_103 = vector.broadcast %sub3A : i32 to vector<16xi32>
        %sub3A_104 = arith.subi %sub3A_103, %and3A_102 : vector<16xi32>
        %mul3A_105 = arith.constant 16 : i32
        %mul3A_106 = vector.broadcast %mul3A_105 : i32 to vector<16xi32>
        %mul3A_107 = arith.muli %sub3A_104, %mul3A_106 : vector<16xi32>
        %add3A_108 = arith.addi %mul3A_107, %iota3A : vector<16xi32>
        %gather3A_109 = tpu.vector_load_idx %arg11[%add3A_108] : memref<4096xi32, #tpu.memory_space<vmem>>[vector<16xi32>], vector<16xi32>,
        tpu.vector_store_idx %arg11[%add3A_108], %broadcast_in_dim3A_3 {add = true} : memref<4096xi32, #tpu.memory_space<vmem>>[vector<16xi32>], vector<16xi32>,
        tpu.vector_store_idx %arg7[%gather3A_109], %gather3A : memref<5120xf32, #tpu.memory_space<vmem>>[vector<16xi32>], vector<16xf32>,
        tpu.vector_store_idx %arg8[%gather3A_109], %gather3A_98 : memref<5120xi32, #tpu.memory_space<vmem>>[vector<16xi32>], vector<16xi32>,
        %scan3A_110 = arith.constant 0 : i32
        scf.yield %scan3A_110 : i32
      }
      %scan3A_50 = arith.constant 320 : i32
      %parallel_loop3A_51 = arith.constant 0 : i32
      %parallel_loop3A_52 = arith.constant 256 : i32
      %parallel_loop3A_53 = arith.constant 1 : i32
      scf.for %parallel_loop3A_94 = %parallel_loop3A_51 to %parallel_loop3A_52 step %parallel_loop3A_53  : i32 {
        %parallel_loop3A_95 = arith.constant 0 : i32
        %parallel_loop3A_96 = vector.broadcast %parallel_loop3A_95 : i32 to vector<16xi32>
        %parallel_loop3A_97 = arith.constant 16 : i32
        %parallel_loop3A_98 = arith.muli %parallel_loop3A_94, %parallel_loop3A_97 : i32
        %parallel_loop3A_99 = arith.index_cast %parallel_loop3A_98 : i32 to index
        %parallel_loop3A_100 = tpu.vector_load %arg11[%parallel_loop3A_99] {strides = array<i32>} : memref<4096xi32, #tpu.memory_space<vmem>>, vector<16xi32>,
        tpu.vector_store %arg11[%parallel_loop3A_99], %parallel_loop3A_96 {strides = array<i32>} : memref<4096xi32, #tpu.memory_space<vmem>>, vector<16xi32>,
      } {sc.loop_unroll_factor = 8 : i64, sc.parallel_access}
      %parallel_loop3A_54 = arith.constant 0 : i32
      %parallel_loop3A_55 = arith.constant 320 : i32
      %parallel_loop3A_56 = arith.constant 1 : i32
      scf.for %parallel_loop3A_94 = %parallel_loop3A_54 to %parallel_loop3A_55 step %parallel_loop3A_56  : i32 {
        %parallel_loop3A_95 = vector.broadcast %parallel_loop3A_94 : i32 to vector<16xi32>
        %parallel_loop3A_96 = arith.addi %mul3A_11, %parallel_loop3A_95 : vector<16xi32>
        %parallel_loop3A_97 = tpu.vector_load_idx %arg7[%parallel_loop3A_96] : memref<5120xf32, #tpu.memory_space<vmem>>[vector<16xi32>], vector<16xf32>,
        %parallel_loop3A_98 = vector.bitcast %parallel_loop3A_97 : vector<16xf32> to vector<16xi32>
        %parallel_loop3A_99 = arith.constant 16 : i32
        %parallel_loop3A_100 = vector.broadcast %parallel_loop3A_99 : i32 to vector<16xi32>
        %parallel_loop3A_101 = arith.shrsi %parallel_loop3A_98, %parallel_loop3A_100 : vector<16xi32>
        %parallel_loop3A_102 = arith.constant 255 : i32
        %parallel_loop3A_103 = vector.broadcast %parallel_loop3A_102 : i32 to vector<16xi32>
        %parallel_loop3A_104 = arith.andi %parallel_loop3A_101, %parallel_loop3A_103 : vector<16xi32>
        %parallel_loop3A_105 = arith.constant 255 : i32
        %parallel_loop3A_106 = vector.broadcast %parallel_loop3A_105 : i32 to vector<16xi32>
        %parallel_loop3A_107 = arith.subi %parallel_loop3A_106, %parallel_loop3A_104 : vector<16xi32>
        %parallel_loop3A_108 = arith.constant 16 : i32
        %parallel_loop3A_109 = vector.broadcast %parallel_loop3A_108 : i32 to vector<16xi32>
        %parallel_loop3A_110 = arith.muli %parallel_loop3A_107, %parallel_loop3A_109 : vector<16xi32>
        %parallel_loop3A_111 = arith.addi %parallel_loop3A_110, %iota3A : vector<16xi32>
        tpu.vector_store_idx %arg11[%parallel_loop3A_111], %broadcast_in_dim3A_3 {add = true} : memref<4096xi32, #tpu.memory_space<vmem>>[vector<16xi32>], vector<16xi32>,
      } {sc.loop_unroll_factor = 4 : i64, sc.parallel_access}
      %scan3A_57 = arith.constant 0 : i32
      %scan3A_58 = arith.constant 0 : i32
      %scan3A_59 = arith.constant 256 : i32
      %scan3A_60 = arith.addi %scan3A_58, %scan3A_59 : i32
      %scan3A_61 = arith.constant 1 : i32
      %scan3A_62 = scf.for %scan3A_94 = %scan3A_58 to %scan3A_60 step %scan3A_61 iter_args(%scan3A_95 = %scan3A_57) -> (i32)  : i32 {
        %mul3A_96 = arith.constant 16 : i32
        %mul3A_97 = arith.muli %scan3A_94, %mul3A_96 : i32
        %get3A_98 = arith.index_cast %mul3A_97 : i32 to index
        %get3A_99 = tpu.vector_load %arg11[%get3A_98] {strides = array<i32>} : memref<4096xi32, #tpu.memory_space<vmem>>, vector<16xi32>,
        %broadcast_in_dim3A_100 = arith.constant true
        %broadcast_in_dim3A_101 = vector.broadcast %broadcast_in_dim3A_100 : i1 to vector<16xi1>
        %masked_cumsum3A = tpu.scan <sum>, %get3A_99 masked %broadcast_in_dim3A_101 : vector<16xi32>, vector<16xi1> -> vector<16xi32>
        %sub3A = arith.subi %masked_cumsum3A, %get3A_99 : vector<16xi32>
        %add3A_102 = vector.broadcast %scan3A_95 : i32 to vector<16xi32>
        %add3A_103 = arith.addi %sub3A, %add3A_102 : vector<16xi32>
        %mul3A_104 = arith.constant 16 : i32
        %mul3A_105 = arith.muli %scan3A_94, %mul3A_104 : i32
        %swap3A = arith.index_cast %mul3A_105 : i32 to index
        %swap3A_106 = tpu.vector_load %arg11[%swap3A] {strides = array<i32>} : memref<4096xi32, #tpu.memory_space<vmem>>, vector<16xi32>,
        tpu.vector_store %arg11[%swap3A], %add3A_103 {strides = array<i32>} : memref<4096xi32, #tpu.memory_space<vmem>>, vector<16xi32>,
        %slice3A = vector.extract_strided_slice %masked_cumsum3A {offsets = [15], sizes = [1], strides = [1]} : vector<16xi32> to vector<1xi32>
        %squeeze3A = vector.extract %slice3A[0] : i32 from vector<1xi32>
        %add3A_107 = arith.addi %scan3A_95, %squeeze3A : i32
        scf.yield %add3A_107 : i32
      }
      %scan3A_63 = arith.constant 256 : i32
      %scan3A_64 = arith.constant 0 : i32
      %scan3A_65 = arith.constant 0 : i32
      %scan3A_66 = arith.constant 320 : i32
      %scan3A_67 = arith.addi %scan3A_65, %scan3A_66 : i32
      %scan3A_68 = arith.constant 1 : i32
      %scan3A_69 = scf.for %scan3A_94 = %scan3A_65 to %scan3A_67 step %scan3A_68 iter_args(%scan3A_95 = %scan3A_64) -> (i32)  : i32 {
        %add3A_96 = vector.broadcast %scan3A_94 : i32 to vector<16xi32>
        %add3A_97 = arith.addi %mul3A_11, %add3A_96 : vector<16xi32>
        %gather3A = tpu.vector_load_idx %arg7[%add3A_97] : memref<5120xf32, #tpu.memory_space<vmem>>[vector<16xi32>], vector<16xf32>,
        %gather3A_98 = tpu.vector_load_idx %arg8[%add3A_97] : memref<5120xi32, #tpu.memory_space<vmem>>[vector<16xi32>], vector<16xi32>,
        %bitcast3A = vector.bitcast %gather3A : vector<16xf32> to vector<16xi32>
        %shift_right_arithmetic3A = arith.constant 16 : i32
        %shift_right_arithmetic3A_99 = vector.broadcast %shift_right_arithmetic3A : i32 to vector<16xi32>
        %shift_right_arithmetic3A_100 = arith.shrsi %bitcast3A, %shift_right_arithmetic3A_99 : vector<16xi32>
        %and3A = arith.constant 255 : i32
        %and3A_101 = vector.broadcast %and3A : i32 to vector<16xi32>
        %and3A_102 = arith.andi %shift_right_arithmetic3A_100, %and3A_101 : vector<16xi32>
        %sub3A = arith.constant 255 : i32
        %sub3A_103 = vector.broadcast %sub3A : i32 to vector<16xi32>
        %sub3A_104 = arith.subi %sub3A_103, %and3A_102 : vector<16xi32>
        %mul3A_105 = arith.constant 16 : i32
        %mul3A_106 = vector.broadcast %mul3A_105 : i32 to vector<16xi32>
        %mul3A_107 = arith.muli %sub3A_104, %mul3A_106 : vector<16xi32>
        %add3A_108 = arith.addi %mul3A_107, %iota3A : vector<16xi32>
        %gather3A_109 = tpu.vector_load_idx %arg11[%add3A_108] : memref<4096xi32, #tpu.memory_space<vmem>>[vector<16xi32>], vector<16xi32>,
        tpu.vector_store_idx %arg11[%add3A_108], %broadcast_in_dim3A_3 {add = true} : memref<4096xi32, #tpu.memory_space<vmem>>[vector<16xi32>], vector<16xi32>,
        tpu.vector_store_idx %arg9[%gather3A_109], %gather3A : memref<5120xf32, #tpu.memory_space<vmem>>[vector<16xi32>], vector<16xf32>,
        tpu.vector_store_idx %arg10[%gather3A_109], %gather3A_98 : memref<5120xi32, #tpu.memory_space<vmem>>[vector<16xi32>], vector<16xi32>,
        %scan3A_110 = arith.constant 0 : i32
        scf.yield %scan3A_110 : i32
      }
      %scan3A_70 = arith.constant 320 : i32
      %parallel_loop3A_71 = arith.constant 0 : i32
      %parallel_loop3A_72 = arith.constant 256 : i32
      %parallel_loop3A_73 = arith.constant 1 : i32
      scf.for %parallel_loop3A_94 = %parallel_loop3A_71 to %parallel_loop3A_72 step %parallel_loop3A_73  : i32 {
        %parallel_loop3A_95 = arith.constant 0 : i32
        %parallel_loop3A_96 = vector.broadcast %parallel_loop3A_95 : i32 to vector<16xi32>
        %parallel_loop3A_97 = arith.constant 16 : i32
        %parallel_loop3A_98 = arith.muli %parallel_loop3A_94, %parallel_loop3A_97 : i32
        %parallel_loop3A_99 = arith.index_cast %parallel_loop3A_98 : i32 to index
        %parallel_loop3A_100 = tpu.vector_load %arg11[%parallel_loop3A_99] {strides = array<i32>} : memref<4096xi32, #tpu.memory_space<vmem>>, vector<16xi32>,
        tpu.vector_store %arg11[%parallel_loop3A_99], %parallel_loop3A_96 {strides = array<i32>} : memref<4096xi32, #tpu.memory_space<vmem>>, vector<16xi32>,
      } {sc.loop_unroll_factor = 8 : i64, sc.parallel_access}
      %parallel_loop3A_74 = arith.constant 0 : i32
      %parallel_loop3A_75 = arith.constant 320 : i32
      %parallel_loop3A_76 = arith.constant 1 : i32
      scf.for %parallel_loop3A_94 = %parallel_loop3A_74 to %parallel_loop3A_75 step %parallel_loop3A_76  : i32 {
        %parallel_loop3A_95 = vector.broadcast %parallel_loop3A_94 : i32 to vector<16xi32>
        %parallel_loop3A_96 = arith.addi %mul3A_11, %parallel_loop3A_95 : vector<16xi32>
        %parallel_loop3A_97 = tpu.vector_load_idx %arg9[%parallel_loop3A_96] : memref<5120xf32, #tpu.memory_space<vmem>>[vector<16xi32>], vector<16xf32>,
        %parallel_loop3A_98 = vector.bitcast %parallel_loop3A_97 : vector<16xf32> to vector<16xi32>
        %parallel_loop3A_99 = arith.constant 24 : i32
        %parallel_loop3A_100 = vector.broadcast %parallel_loop3A_99 : i32 to vector<16xi32>
        %parallel_loop3A_101 = arith.shrsi %parallel_loop3A_98, %parallel_loop3A_100 : vector<16xi32>
        %parallel_loop3A_102 = arith.constant 255 : i32
        %parallel_loop3A_103 = vector.broadcast %parallel_loop3A_102 : i32 to vector<16xi32>
        %parallel_loop3A_104 = arith.andi %parallel_loop3A_101, %parallel_loop3A_103 : vector<16xi32>
        %parallel_loop3A_105 = arith.constant 255 : i32
        %parallel_loop3A_106 = vector.broadcast %parallel_loop3A_105 : i32 to vector<16xi32>
        %parallel_loop3A_107 = arith.subi %parallel_loop3A_106, %parallel_loop3A_104 : vector<16xi32>
        %parallel_loop3A_108 = arith.constant 16 : i32
        %parallel_loop3A_109 = vector.broadcast %parallel_loop3A_108 : i32 to vector<16xi32>
        %parallel_loop3A_110 = arith.muli %parallel_loop3A_107, %parallel_loop3A_109 : vector<16xi32>
        %parallel_loop3A_111 = arith.addi %parallel_loop3A_110, %iota3A : vector<16xi32>
        tpu.vector_store_idx %arg11[%parallel_loop3A_111], %broadcast_in_dim3A_3 {add = true} : memref<4096xi32, #tpu.memory_space<vmem>>[vector<16xi32>], vector<16xi32>,
      } {sc.loop_unroll_factor = 4 : i64, sc.parallel_access}
      %scan3A_77 = arith.constant 0 : i32
      %scan3A_78 = arith.constant 0 : i32
      %scan3A_79 = arith.constant 256 : i32
      %scan3A_80 = arith.addi %scan3A_78, %scan3A_79 : i32
      %scan3A_81 = arith.constant 1 : i32
      %scan3A_82 = scf.for %scan3A_94 = %scan3A_78 to %scan3A_80 step %scan3A_81 iter_args(%scan3A_95 = %scan3A_77) -> (i32)  : i32 {
        %mul3A_96 = arith.constant 16 : i32
        %mul3A_97 = arith.muli %scan3A_94, %mul3A_96 : i32
        %get3A_98 = arith.index_cast %mul3A_97 : i32 to index
        %get3A_99 = tpu.vector_load %arg11[%get3A_98] {strides = array<i32>} : memref<4096xi32, #tpu.memory_space<vmem>>, vector<16xi32>,
        %broadcast_in_dim3A_100 = arith.constant true
        %broadcast_in_dim3A_101 = vector.broadcast %broadcast_in_dim3A_100 : i1 to vector<16xi1>
        %masked_cumsum3A = tpu.scan <sum>, %get3A_99 masked %broadcast_in_dim3A_101 : vector<16xi32>, vector<16xi1> -> vector<16xi32>
        %sub3A = arith.subi %masked_cumsum3A, %get3A_99 : vector<16xi32>
        %add3A_102 = vector.broadcast %scan3A_95 : i32 to vector<16xi32>
        %add3A_103 = arith.addi %sub3A, %add3A_102 : vector<16xi32>
        %mul3A_104 = arith.constant 16 : i32
        %mul3A_105 = arith.muli %scan3A_94, %mul3A_104 : i32
        %swap3A = arith.index_cast %mul3A_105 : i32 to index
        %swap3A_106 = tpu.vector_load %arg11[%swap3A] {strides = array<i32>} : memref<4096xi32, #tpu.memory_space<vmem>>, vector<16xi32>,
        tpu.vector_store %arg11[%swap3A], %add3A_103 {strides = array<i32>} : memref<4096xi32, #tpu.memory_space<vmem>>, vector<16xi32>,
        %slice3A = vector.extract_strided_slice %masked_cumsum3A {offsets = [15], sizes = [1], strides = [1]} : vector<16xi32> to vector<1xi32>
        %squeeze3A = vector.extract %slice3A[0] : i32 from vector<1xi32>
        %add3A_107 = arith.addi %scan3A_95, %squeeze3A : i32
        scf.yield %add3A_107 : i32
      }
      %scan3A_83 = arith.constant 256 : i32
      %scan3A_84 = arith.constant 0 : i32
      %scan3A_85 = arith.constant 0 : i32
      %scan3A_86 = arith.constant 320 : i32
      %scan3A_87 = arith.addi %scan3A_85, %scan3A_86 : i32
      %scan3A_88 = arith.constant 1 : i32
      %scan3A_89 = scf.for %scan3A_94 = %scan3A_85 to %scan3A_87 step %scan3A_88 iter_args(%scan3A_95 = %scan3A_84) -> (i32)  : i32 {
        %add3A_96 = vector.broadcast %scan3A_94 : i32 to vector<16xi32>
        %add3A_97 = arith.addi %mul3A_11, %add3A_96 : vector<16xi32>
        %gather3A = tpu.vector_load_idx %arg9[%add3A_97] : memref<5120xf32, #tpu.memory_space<vmem>>[vector<16xi32>], vector<16xf32>,
        %gather3A_98 = tpu.vector_load_idx %arg10[%add3A_97] : memref<5120xi32, #tpu.memory_space<vmem>>[vector<16xi32>], vector<16xi32>,
        %bitcast3A = vector.bitcast %gather3A : vector<16xf32> to vector<16xi32>
        %shift_right_arithmetic3A = arith.constant 24 : i32
        %shift_right_arithmetic3A_99 = vector.broadcast %shift_right_arithmetic3A : i32 to vector<16xi32>
        %shift_right_arithmetic3A_100 = arith.shrsi %bitcast3A, %shift_right_arithmetic3A_99 : vector<16xi32>
        %and3A = arith.constant 255 : i32
        %and3A_101 = vector.broadcast %and3A : i32 to vector<16xi32>
        %and3A_102 = arith.andi %shift_right_arithmetic3A_100, %and3A_101 : vector<16xi32>
        %sub3A = arith.constant 255 : i32
        %sub3A_103 = vector.broadcast %sub3A : i32 to vector<16xi32>
        %sub3A_104 = arith.subi %sub3A_103, %and3A_102 : vector<16xi32>
        %mul3A_105 = arith.constant 16 : i32
        %mul3A_106 = vector.broadcast %mul3A_105 : i32 to vector<16xi32>
        %mul3A_107 = arith.muli %sub3A_104, %mul3A_106 : vector<16xi32>
        %add3A_108 = arith.addi %mul3A_107, %iota3A : vector<16xi32>
        %gather3A_109 = tpu.vector_load_idx %arg11[%add3A_108] : memref<4096xi32, #tpu.memory_space<vmem>>[vector<16xi32>], vector<16xi32>,
        tpu.vector_store_idx %arg11[%add3A_108], %broadcast_in_dim3A_3 {add = true} : memref<4096xi32, #tpu.memory_space<vmem>>[vector<16xi32>], vector<16xi32>,
        tpu.vector_store_idx %arg7[%gather3A_109], %gather3A : memref<5120xf32, #tpu.memory_space<vmem>>[vector<16xi32>], vector<16xf32>,
        tpu.vector_store_idx %arg8[%gather3A_109], %gather3A_98 : memref<5120xi32, #tpu.memory_space<vmem>>[vector<16xi32>], vector<16xi32>,
        %scan3A_110 = arith.constant 0 : i32
        scf.yield %scan3A_110 : i32
      }
      %scan3A_90 = arith.constant 320 : i32
      %parallel_loop3A_91 = arith.constant 0 : i32
      %parallel_loop3A_92 = arith.constant 320 : i32
      %parallel_loop3A_93 = arith.constant 1 : i32
      scf.for %parallel_loop3A_94 = %parallel_loop3A_91 to %parallel_loop3A_92 step %parallel_loop3A_93  : i32 {
        %parallel_loop3A_95 = arith.constant 16 : i32
        %parallel_loop3A_96 = arith.muli %parallel_loop3A_94, %parallel_loop3A_95 : i32
        %parallel_loop3A_97 = arith.index_cast %parallel_loop3A_96 : i32 to index
        %parallel_loop3A_98 = tpu.vector_load %arg8[%parallel_loop3A_97] {strides = array<i32>} : memref<5120xi32, #tpu.memory_space<vmem>>, vector<16xi32>,
        %parallel_loop3A_99 = arith.constant 4 : i32
        %parallel_loop3A_100 = vector.broadcast %parallel_loop3A_99 : i32 to vector<16xi32>
        %parallel_loop3A_101 = arith.muli %parallel_loop3A_98, %parallel_loop3A_100 : vector<16xi32>
        %parallel_loop3A_102 = tpu.vector_load_idx %arg12[%parallel_loop3A_101] : memref<20480xf32, #tpu.memory_space<vmem>>[vector<16xi32>], vector<16xf32>,
        %parallel_loop3A_103 = arith.constant 1 : i32
        %parallel_loop3A_104 = vector.broadcast %parallel_loop3A_103 : i32 to vector<16xi32>
        %parallel_loop3A_105 = arith.addi %parallel_loop3A_101, %parallel_loop3A_104 : vector<16xi32>
        %parallel_loop3A_106 = tpu.vector_load_idx %arg12[%parallel_loop3A_105] : memref<20480xf32, #tpu.memory_space<vmem>>[vector<16xi32>], vector<16xf32>,
        %parallel_loop3A_107 = arith.constant 2 : i32
        %parallel_loop3A_108 = vector.broadcast %parallel_loop3A_107 : i32 to vector<16xi32>
        %parallel_loop3A_109 = arith.addi %parallel_loop3A_101, %parallel_loop3A_108 : vector<16xi32>
        %parallel_loop3A_110 = tpu.vector_load_idx %arg12[%parallel_loop3A_109] : memref<20480xf32, #tpu.memory_space<vmem>>[vector<16xi32>], vector<16xf32>,
        %parallel_loop3A_111 = arith.constant 3 : i32
        %parallel_loop3A_112 = vector.broadcast %parallel_loop3A_111 : i32 to vector<16xi32>
        %parallel_loop3A_113 = arith.addi %parallel_loop3A_101, %parallel_loop3A_112 : vector<16xi32>
        %parallel_loop3A_114 = tpu.vector_load_idx %arg12[%parallel_loop3A_113] : memref<20480xf32, #tpu.memory_space<vmem>>[vector<16xi32>], vector<16xf32>,
        %parallel_loop3A_115 = arith.constant 16 : i32
        %parallel_loop3A_116 = arith.muli %parallel_loop3A_94, %parallel_loop3A_115 : i32
        %parallel_loop3A_117 = arith.constant 5.000000e-01 : f32
        %parallel_loop3A_118 = vector.broadcast %parallel_loop3A_117 : f32 to vector<16xf32>
        %parallel_loop3A_119 = arith.mulf %parallel_loop3A_118, %parallel_loop3A_110 : vector<16xf32>
        %parallel_loop3A_120 = arith.subf %parallel_loop3A_102, %parallel_loop3A_119 : vector<16xf32>
        %parallel_loop3A_121 = arith.mulf %parallel_loop3A_120, %get3A_4 : vector<16xf32>
        %parallel_loop3A_122 = arith.constant 0 : i32
        %parallel_loop3A_123 = arith.index_cast %parallel_loop3A_122 : i32 to index
        %parallel_loop3A_124 = arith.index_cast %parallel_loop3A_116 : i32 to index
        %parallel_loop3A_125 = tpu.vector_load %arg13[%parallel_loop3A_123, %parallel_loop3A_124] {strides = array<i32>} : memref<4x5120xf32, #tpu.memory_space<vmem>>, vector<16xf32>,
        tpu.vector_store %arg13[%parallel_loop3A_123, %parallel_loop3A_124], %parallel_loop3A_121 {strides = array<i32>} : memref<4x5120xf32, #tpu.memory_space<vmem>>, vector<16xf32>,
        %parallel_loop3A_126 = arith.constant 5.000000e-01 : f32
        %parallel_loop3A_127 = vector.broadcast %parallel_loop3A_126 : f32 to vector<16xf32>
        %parallel_loop3A_128 = arith.mulf %parallel_loop3A_127, %parallel_loop3A_114 : vector<16xf32>
        %parallel_loop3A_129 = arith.subf %parallel_loop3A_106, %parallel_loop3A_128 : vector<16xf32>
        %parallel_loop3A_130 = arith.mulf %parallel_loop3A_129, %get3A_6 : vector<16xf32>
        %parallel_loop3A_131 = arith.constant 1 : i32
        %parallel_loop3A_132 = arith.index_cast %parallel_loop3A_131 : i32 to index
        %parallel_loop3A_133 = arith.index_cast %parallel_loop3A_116 : i32 to index
        %parallel_loop3A_134 = tpu.vector_load %arg13[%parallel_loop3A_132, %parallel_loop3A_133] {strides = array<i32>} : memref<4x5120xf32, #tpu.memory_space<vmem>>, vector<16xf32>,
        tpu.vector_store %arg13[%parallel_loop3A_132, %parallel_loop3A_133], %parallel_loop3A_130 {strides = array<i32>} : memref<4x5120xf32, #tpu.memory_space<vmem>>, vector<16xf32>,
        %parallel_loop3A_135 = arith.constant 5.000000e-01 : f32
        %parallel_loop3A_136 = vector.broadcast %parallel_loop3A_135 : f32 to vector<16xf32>
        %parallel_loop3A_137 = arith.mulf %parallel_loop3A_136, %parallel_loop3A_110 : vector<16xf32>
        %parallel_loop3A_138 = arith.addf %parallel_loop3A_102, %parallel_loop3A_137 : vector<16xf32>
        %parallel_loop3A_139 = arith.mulf %parallel_loop3A_138, %get3A_4 : vector<16xf32>
        %parallel_loop3A_140 = arith.constant 2 : i32
        %parallel_loop3A_141 = arith.index_cast %parallel_loop3A_140 : i32 to index
        %parallel_loop3A_142 = arith.index_cast %parallel_loop3A_116 : i32 to index
        %parallel_loop3A_143 = tpu.vector_load %arg13[%parallel_loop3A_141, %parallel_loop3A_142] {strides = array<i32>} : memref<4x5120xf32, #tpu.memory_space<vmem>>, vector<16xf32>,
        tpu.vector_store %arg13[%parallel_loop3A_141, %parallel_loop3A_142], %parallel_loop3A_139 {strides = array<i32>} : memref<4x5120xf32, #tpu.memory_space<vmem>>, vector<16xf32>,
        %parallel_loop3A_144 = arith.constant 5.000000e-01 : f32
        %parallel_loop3A_145 = vector.broadcast %parallel_loop3A_144 : f32 to vector<16xf32>
        %parallel_loop3A_146 = arith.mulf %parallel_loop3A_145, %parallel_loop3A_114 : vector<16xf32>
        %parallel_loop3A_147 = arith.addf %parallel_loop3A_106, %parallel_loop3A_146 : vector<16xf32>
        %parallel_loop3A_148 = arith.mulf %parallel_loop3A_147, %get3A_6 : vector<16xf32>
        %parallel_loop3A_149 = arith.constant 3 : i32
        %parallel_loop3A_150 = arith.index_cast %parallel_loop3A_149 : i32 to index
        %parallel_loop3A_151 = arith.index_cast %parallel_loop3A_116 : i32 to index
        %parallel_loop3A_152 = tpu.vector_load %arg13[%parallel_loop3A_150, %parallel_loop3A_151] {strides = array<i32>} : memref<4x5120xf32, #tpu.memory_space<vmem>>, vector<16xf32>,
        tpu.vector_store %arg13[%parallel_loop3A_150, %parallel_loop3A_151], %parallel_loop3A_148 {strides = array<i32>} : memref<4x5120xf32, #tpu.memory_space<vmem>>, vector<16xf32>,
      } {sc.loop_unroll_factor = 4 : i64, sc.parallel_access}
      "tpu.region"() ({
        %run_scoped3A = tpu.sem_alloc : memref<!tpu.dma_semaphore, #tpu.memory_space<semaphore_mem>>
        %dma_start3A = arith.constant 0 : i32
        %dma_start3A_94 = arith.constant 0 : i32
        %dma_start3A_95 = tpu.memref_slice %arg6[%add3A, %dma_start3A, %dma_start3A_94] : memref<16x4x5120xf32, #tpu.memory_space<hbm>> -> memref<1x4x5120xf32, #tpu.memory_space<hbm>>
        %dma_start3A_96 = tpu.memref_squeeze %dma_start3A_95 : memref<1x4x5120xf32, #tpu.memory_space<hbm>> -> memref<4x5120xf32, #tpu.memory_space<hbm>>
        %dma_start3A_97 = arith.constant 0 : i32
        %dma_start3A_98 = arith.constant 0 : i32
        %dma_start3A_99 = tpu.memref_slice %arg6[%add3A, %dma_start3A_97, %dma_start3A_98] : memref<16x4x5120xf32, #tpu.memory_space<hbm>> -> memref<1x4x5120xf32, #tpu.memory_space<hbm>>
        %dma_start3A_100 = tpu.memref_squeeze %dma_start3A_99 : memref<1x4x5120xf32, #tpu.memory_space<hbm>> -> memref<4x5120xf32, #tpu.memory_space<hbm>>
        tpu.enqueue_dma source(%arg13 : memref<4x5120xf32, #tpu.memory_space<vmem>>) target(%dma_start3A_100 : memref<4x5120xf32, #tpu.memory_space<hbm>>) target_semaphore(%run_scoped3A : memref<!tpu.dma_semaphore, #tpu.memory_space<semaphore_mem>>)
        %dma_wait3A = arith.constant 0 : i32
        %dma_wait3A_101 = arith.constant 0 : i32
        %dma_wait3A_102 = tpu.memref_slice %arg6[%add3A, %dma_wait3A, %dma_wait3A_101] : memref<16x4x5120xf32, #tpu.memory_space<hbm>> -> memref<1x4x5120xf32, #tpu.memory_space<hbm>>
        %dma_wait3A_103 = tpu.memref_squeeze %dma_wait3A_102 : memref<1x4x5120xf32, #tpu.memory_space<hbm>> -> memref<4x5120xf32, #tpu.memory_space<hbm>>
        %dma_wait3A_104 = arith.constant 0 : i32
        %dma_wait3A_105 = arith.constant 0 : i32
        %dma_wait3A_106 = tpu.memref_slice %arg6[%add3A, %dma_wait3A_104, %dma_wait3A_105] : memref<16x4x5120xf32, #tpu.memory_space<hbm>> -> memref<1x4x5120xf32, #tpu.memory_space<hbm>>
        %dma_wait3A_107 = tpu.memref_squeeze %dma_wait3A_106 : memref<1x4x5120xf32, #tpu.memory_space<hbm>> -> memref<4x5120xf32, #tpu.memory_space<hbm>>
        tpu.wait_dma2 semaphore(%run_scoped3A : memref<!tpu.dma_semaphore, #tpu.memory_space<semaphore_mem>>) src(%arg13 : memref<4x5120xf32, #tpu.memory_space<vmem>>) dst(%dma_wait3A_107 : memref<4x5120xf32, #tpu.memory_space<hbm>>)
        tpu.yield
      }) : () -> ()
    } else {
    }
    return
  }
}

module attributes {stable_mosaic.version = 14 : i64} {
  func.func @_scores_body(%arg0: i32, %arg1: memref<16x256xf32, #tpu.memory_space<vmem>>, %arg2: memref<16x512x256xf32, #tpu.memory_space<vmem>>, %arg3: memref<16x512xf32, #tpu.memory_space<vmem>>) attributes {dimension_semantics = [#tpu.dimension_semantics<arbitrary>], iteration_bounds = array<i64: 10>, scalar_prefetch = 0 : i64, scratch_operands = 0 : i64, tpu.core_type = #tpu.core_type<tc>, window_params = [{pipeline_mode = #tpu.pipeline_mode<synchronous>, transform_indices = @transform_0, window_bounds = array<i64: 16, 256>}, {transform_indices = @transform_1, window_bounds = array<i64: 16, 512, 256>}, {transform_indices = @transform_2, window_bounds = array<i64: 16, 512>}]} {
    %get3A = arith.constant 0 : index
    %get3A_0 = arith.constant 0 : index
    %get3A_1 = vector.load %arg1[%get3A, %get3A_0] : memref<16x256xf32, #tpu.memory_space<vmem>>, vector<16x256xf32>
    %gt3A = arith.constant 9.99999997E-7 : f32
    %gt3A_2 = vector.broadcast %gt3A : f32 to vector<16x256xf32>
    %gt3A_3 = arith.cmpf ogt, %get3A_1, %gt3A_2 : vector<16x256xf32>
    %get3A_4 = arith.constant 0 : index
    %get3A_5 = arith.constant 0 : index
    %get3A_6 = arith.constant 0 : index
    %get3A_7 = vector.load %arg2[%get3A_4, %get3A_5, %get3A_6] : memref<16x512x256xf32, #tpu.memory_space<vmem>>, vector<16x512x256xf32>
    %logistic3A = arith.negf %get3A_7 : vector<16x512x256xf32>
    %logistic3A_8 = math.exp %logistic3A : vector<16x512x256xf32>
    %logistic3A_9 = arith.constant 1.000000e+00 : f32
    %logistic3A_10 = vector.broadcast %logistic3A_9 : f32 to vector<16x512x256xf32>
    %logistic3A_11 = arith.addf %logistic3A_10, %logistic3A_8 : vector<16x512x256xf32>
    %logistic3A_12 = arith.divf %logistic3A_10, %logistic3A_11 : vector<16x512x256xf32>
    %broadcast_in_dim3A = vector.shape_cast %gt3A_3 : vector<16x256xi1> to vector<16x1x256xi1>
    %jit3A = arith.constant 0.000000e+00 : f32
    %broadcast_in_dim3A_13 = vector.shape_cast %broadcast_in_dim3A : vector<16x1x256xi1> to vector<16x1x256xi1>
    %broadcast_in_dim3A_14 = vector.broadcast %broadcast_in_dim3A_13 : vector<16x1x256xi1> to vector<16x512x256xi1>
    %broadcast_in_dim3A_15 = vector.broadcast %jit3A : f32 to vector<16x512x256xf32>
    %select_n3A = arith.select %broadcast_in_dim3A_14, %logistic3A_12, %broadcast_in_dim3A_15 : vector<16x512x256xi1>, vector<16x512x256xf32>
    %reduce_max3A = arith.constant dense<0xFF800000> : vector<16x512xf32>
    %reduce_max3A_16 = vector.multi_reduction <maximumf>, %select_n3A, %reduce_max3A [2] : vector<16x512x256xf32> to vector<16x512xf32>
    %mul3A = arith.constant 512 : i32
    %mul3A_17 = arith.muli %arg0, %mul3A : i32
    %iota3A = tpu.iota {dimensions = array<i32: 1>} : vector<16x512xi32>
    %add3A = vector.broadcast %mul3A_17 : i32 to vector<16x512xi32>
    %add3A_18 = arith.addi %add3A, %iota3A : vector<16x512xi32>
    %lt3A = arith.constant 5000 : i32
    %lt3A_19 = vector.broadcast %lt3A : i32 to vector<16x512xi32>
    %lt3A_20 = arith.cmpi slt, %add3A_18, %lt3A_19 : vector<16x512xi32>
    %jit3A_21 = arith.constant 0.000000e+00 : f32
    %broadcast_in_dim3A_22 = vector.broadcast %jit3A_21 : f32 to vector<16x512xf32>
    %select_n3A_23 = arith.select %lt3A_20, %reduce_max3A_16, %broadcast_in_dim3A_22 : vector<16x512xi1>, vector<16x512xf32>
    %swap3A = arith.constant 0 : index
    %swap3A_24 = arith.constant 0 : index
    %swap3A_25 = vector.load %arg3[%swap3A, %swap3A_24] : memref<16x512xf32, #tpu.memory_space<vmem>>, vector<16x512xf32>
    tpu.vector_store %arg3[%swap3A, %swap3A_24], %select_n3A_23 {strides = array<i32>} : memref<16x512xf32, #tpu.memory_space<vmem>>, vector<16x512xf32>,
    return
  }
  func.func @transform_0(%arg0: i32) -> (i32, i32) {
    %c0_i32 = arith.constant 0 : i32
    %c0_i32_0 = arith.constant 0 : i32
    %c0_i32_1 = arith.constant 0 : i32
    return %c0_i32, %c0_i32_0 : i32, i32
  }
  func.func @transform_1(%arg0: i32) -> (i32, i32, i32) {
    %c0_i32 = arith.constant 0 : i32
    %c0_i32_0 = arith.constant 0 : i32
    %c0_i32_1 = arith.constant 0 : i32
    return %c0_i32, %arg0, %c0_i32_0 : i32, i32, i32
  }
  func.func @transform_2(%arg0: i32) -> (i32, i32) {
    %c0_i32 = arith.constant 0 : i32
    %c0_i32_0 = arith.constant 0 : i32
    return %c0_i32, %arg0 : i32, i32
  }
}

</mosaic_0001>

<sc_bundles>
// kernel: kernel.4.cloned.1.call-start
scs
__scs_entry_jumppad:
0x0: {  	(pc) =	sbr.rel $0x88, $3  }
0x1: {  	(tag) =	ssettag $0x0;
	lr =	simm.s32 $0x1  }
0x2: {  	[smem:$0x3F9D] =	sst lr;
	_ =	strace $0xD0000000  }
0x3: {  	_ = 	snop  }
0x4: {  	_ = 	snop  }
0x5: {  	_ = 	snop  }
0x6: {  	_ = 	snop  }
0x7: {  	_ = 	snop  }
__scs_overlays_trampoline_lowered:
0x8: {  	[smem:$0x3FAC] =	sst s0  }
0x9: {  	[smem:$0x3FAD] =	sst s1  }
0xa: {  	[smem:$0x3FAE] =	sst s2  }
0xb: {  	[smem:$0x3FAF] =	sst s3  }
0xc: {  	[smem:$0x3FB0] =	sst s4  }
0xd: {  	[smem:$0x3FB1] =	sst s5  }
0xe: {  	[smem:$0x3FB2] =	sst s6  }
0xf: {  	[smem:$0x3FB3] =	sst s7  }
0x10: {  	[smem:$0x3FB4] =	sst s8  }
0x11: {  	[smem:$0x3FB5] =	sst s9;
	s0 =	simm.s32 @!p0 $0x0  }
0x12: {  	s1 =	sld [smem:$0x3F9B];
	s0 =	simm.s32 @p0 $0x1  }
0x13: {  	[smem:$0x3FB6] =	sst s0;
	s0 =	simm.s32 @!p1 $0x0  }
0x14: {  	s2 =	sld [smem:$0x3F9A];
	s0 =	simm.s32 @p1 $0x1  }
0x15: {  	[smem:$0x3FB7] =	sst s0;
	s0 =	simm.s32 @!p2 $0x0  }
0x16: {  	s3 =	sld [smem:$0x3FDB];
	s0 =	simm.s32 @p2 $0x1  }
0x17: {  	s4 =	simm.s32 $0x1BF5;
	[smem:$0x3FB9] =	sst s0  }
0x18: {  	s0 =	sld [smem:$0x3F9C];
	_ =	swait.ge [sflag:s4], $0x0  }
0x19: {  	s7 =	sld [smem:$0x3F9D]  }
0x1a: {  	s8 =	sadd.s32 $0xFFFFE003, lr  }
0x1b: {  	s9 =	sadd.s32 $0xFFFFFEF7, lr;
	s5 =	simm.s32 $0xFFFFFFFF;
	p2 =	slt.u32 s8, $0xFFFFF086  }
0x1c: {  	p1 =	slt.u32 s9, $0xF7A;
	s5 =	simm.s32 @!p2 $0x0  }
0x1d: {  	s5 =	simm.s32 @p1 $0x1;
	p0 =	seq.s32 s7, s2  }
0x1e: {  	s7 =	smul.u32 @!p0 $0xF7A, s2;
	p2 =	seq.s32 @!p0 s5, $0x0  }
0x1f: {  	s9 =	smul.u32 $0xF7A, s1;
	s8 =	simm.s32 @!p0 $0x1BF5;
	p2 =	por !p2, p0  }
0x20: {  	[sflag:s8] =	ssyncset.s32 @!p0 $0xFFFFF086;
	s6 =	sadd.s32 @!p0 s3, s7;
	s7 =	simm.s32 @!p0 $0x108  }
0x21: {  	s3 =	sadd.s32 s3, s9;
	s6 =	sadd.s32 @!p0 $0x88, s6;
	s7 =	simm.s32 @p2 $0x1082  }
0x22: {  	[simem:s7], [sflag:s8] =	dma.local @!p0 [hbm:s6], $0xF7A  }
0x23: {  	s9 =	sor.u32 $0xD0000000, s2;
	s6 =	simm.s32 $0x108;
	_ =	swait.ge @!p0 [sflag:s8], $0x0  }
0x24: {  	s3 =	sadd.s32 $0x88, s3;
	s6 =	simm.s32 @!p1 $0x1082;
	[sflag:s4] =	ssyncset.s32 $0xFFFFF086  }
0x25: {  	[simem:s6], [sflag:s4] =	dma.local [hbm:s3], $0xF7A  }
0x26: {  	[smem:$0x3F9D] =	sst s1;
	(tag) =	ssettag s2;
	_ =	strace s9  }
0x27: {  	s1 =	sld [smem:$0x3FAD]  }
0x28: {  	s2 =	sld [smem:$0x3FAE]  }
0x29: {  	s4 =	sld [smem:$0x3FB0]  }
0x2a: {  	p0 =	seq.s32 s5, $0x0;
	s5 =	sld [smem:$0x3FB1]  }
0x2b: {  	s6 =	sld [smem:$0x3FB2]  }
0x2c: {  	s7 =	sld [smem:$0x3FB3]  }
0x2d: {  	s3 =	simm.s32 $0x108;
	s8 =	sld [smem:$0x3FB4]  }
0x2e: {  	s3 =	simm.s32 @!p0 $0x1082;
	s9 =	sld [smem:$0x3FB5]  }
0x2f: {  	lr =	sadd.s32 s0, s3;
	s0 =	sld [smem:$0x3FAC]  }
0x30: {  	s3 =	sld [smem:$0x3FAF]  }
0x31: {  	[smem:$0x3FB8] =	sst s10  }
0x32: {  	s10 =	sld [smem:$0x3FB6];
	_ =	sdelay $0x3  }
0x33: {  	p0 =	seq.s32 s10, $0x1;
	s10 =	sld [smem:$0x3FB8];
	_ =	sdelay $0x3  }
0x34: {  	[smem:$0x3FB8] =	sst s10  }
0x35: {  	s10 =	sld [smem:$0x3FB7];
	_ =	sdelay $0x3  }
0x36: {  	p1 =	seq.s32 s10, $0x1;
	s10 =	sld [smem:$0x3FB8];
	_ =	sdelay $0x3  }
0x37: {  	[smem:$0x3FB8] =	sst s10  }
0x38: {  	s10 =	sld [smem:$0x3FB9]  }
0x39: {  	_ = 	snop;
	(pc) =	sbr.ind lr, $3  }
0x3a: {  	_ = 	snop  }
0x3b: {  	_ = 	snop  }
0x3c: {  	p2 =	seq.s32 s10, $0x1;
	s10 =	sld [smem:$0x3FB8]  }
0x3d: {  	_ =	shalt  }
0x3e: {  	_ =	shalt  }
0x3f: {  	_ =	shalt  }
0x40: {  	_ =	shalt  }
0x41: {  	_ =	shalt  }
0x42: {  	_ =	shalt  }
0x43: {  	_ =	shalt  }
0x44: {  	_ =	shalt  }
0x45: {  	_ =	shalt  }
0x46: {  	_ =	shalt  }
0x47: {  	_ =	shalt  }
0x48: {  	_ =	shalt  }
0x49: {  	_ =	shalt  }
0x4a: {  	_ =	shalt  }
0x4b: {  	_ =	shalt  }
0x4c: {  	_ =	shalt  }
0x4d: {  	_ =	shalt  }
0x4e: {  	_ =	shalt  }
0x4f: {  	_ =	shalt  }
0x50: {  	_ =	shalt  }
0x51: {  	_ =	shalt  }
0x52: {  	_ =	shalt  }
0x53: {  	_ =	shalt  }
0x54: {  	_ =	shalt  }
0x55: {  	_ =	shalt  }
0x56: {  	_ =	shalt  }
0x57: {  	_ =	shalt  }
0x58: {  	_ =	shalt  }
0x59: {  	_ =	shalt  }
0x5a: {  	_ =	shalt  }
0x5b: {  	_ =	shalt  }
0x5c: {  	_ =	shalt  }
0x5d: {  	_ =	shalt  }
0x5e: {  	_ =	shalt  }
0x5f: {  	_ =	shalt  }
0x60: {  	_ =	shalt  }
0x61: {  	_ =	shalt  }
0x62: {  	_ =	shalt  }
0x63: {  	_ =	shalt  }
0x64: {  	_ =	shalt  }
0x65: {  	_ =	shalt  }
0x66: {  	_ =	shalt  }
0x67: {  	_ =	shalt  }
0x68: {  	_ =	shalt  }
0x69: {  	_ =	shalt  }
0x6a: {  	_ =	shalt  }
0x6b: {  	_ =	shalt  }
0x6c: {  	_ =	shalt  }
0x6d: {  	_ =	shalt  }
0x6e: {  	_ =	shalt  }
0x6f: {  	_ =	shalt  }
0x70: {  	_ =	shalt  }
0x71: {  	_ =	shalt  }
0x72: {  	_ =	shalt  }
0x73: {  	_ =	shalt  }
0x74: {  	_ =	shalt  }
0x75: {  	_ =	shalt  }
0x76: {  	_ =	shalt  }
0x77: {  	_ =	shalt  }
0x78: {  	_ =	shalt  }
0x79: {  	_ =	shalt  }
0x7a: {  	_ =	shalt  }
0x7b: {  	_ =	shalt  }
0x7c: {  	_ =	shalt  }
0x7d: {  	_ =	shalt  }
0x7e: {  	_ =	shalt  }
0x7f: {  	_ =	shalt  }
0x80: {  	_ =	shalt  }
0x81: {  	_ =	shalt  }
0x82: {  	_ =	shalt  }
0x83: {  	_ =	shalt  }
0x84: {  	_ =	shalt  }
0x85: {  	_ =	shalt  }
0x86: {  	_ =	shalt  }
0x87: {  	_ =	shalt  }
.Lfunc_end0:
.L_simem_size_0:
called_computation_lowered:
.L_overlay_start_0:
0x88: {  	s2 =	sld [smem:$0x3FD9]  }
0x89: {  	s3 =	sld [smem:$0x3FFE];
	_ =	sdelay $0x1  }
0x8a: {  	s1 =	srdreg.scid  }
0x8b: {  	s0 =	sand.u32 $0x1, s1  }
0x8c: {  	s17 =	sshll.u32 s0, $0xA;
	s2 =	sadd.s32 s3, s2  }
0x8d: {  	s2 =	sadd.s32 s2, s17  }
0x8e: {  	[smem:$0x3FC4] =	sst s2  }
0x8f: {  	_ = 	snop  }
0x90: {  	s2 =	sld [smem:$0x3FD0];
	(tm) =	ssettm $0x1  }
0x91: {  	s18 =	sld [smem:$0x3FFB];
	_ =	sdelay $0x3  }
0x92: {  	_ =	strace s18  }
0x93: {  	s3 =	sld [smem:$0x3FFC];
	_ =	sdelay $0x3  }
0x94: {  	_ =	strace s3  }
0x95: {  	s3 =	sld [smem:$0x3FFD];
	_ =	sdelay $0x3  }
0x96: {  	_ =	strace s3  }
0x97: {  	_ =	strace $0x8FFFFFFF  }
0x98: {  	s19 =	sld [smem:$0x3FDB];
	_ =	sdelay $0x1  }
0x99: {  	s4 =	simm.s32 $_scs_section_size  }
0x9a: {  	s5 =	simm.s32 $_size__tile_overlayer_lowered;
	s6 =	simm.s32 $_tile_overlayer_lowered  }
0x9b: {  	s22 =	simm.s32 $0x1BFF;
	s21 =	sshll.u32 s6, $0x1;
	s3 =	sadd.s32 s4, s19  }
0x9c: {  	s7 =	simm.s32 $0x0;
	s20 =	sshll.u32 s5, $0x1;
	s5 =	sadd.s32 s21, s3  }
0x9d: {  	[timem:s7], [sflag:s22] =	dma.local [hbm:s5], s20  }
0x9e: {  	_ =	swait.ge [sflag:s22], s20  }
0x9f: {  	s4 =	ssub.s32 $0x0, s20;
	[sflag:s22] =	ssyncset.done $0x0  }
0xa0: {  	[sflag:s22] =	ssyncadd.s32 s4;
	_ =	sdelay $0x1  }
0xa1: {  	s23 =	simm.s32 $0x1B8B  }
0xa2: {  	_ =	swait.ge [sflag:s23], $0x1  }
0xa3: {  	[sflag:s23] =	ssyncset.done $0x0  }
0xa4: {  	s25 =	simm.s32 $0x1B8E;
	s24 =	sld [smem:$0x3FFE];
	[sflag:s23] =	ssyncadd.s32 $0xFFFFFFFF  }
0xa5: {  	s26 =	simm.s32 $execute0_lowered;
	[smem:$0x3FD2] =	sst s25  }
0xa6: {  	s5 =	sshll.u32 s26, $0x1;
	_ =	strace $0x80000046;
	[dreg:$0x1] =	wrdreg $0xFFFFFFFF  }
0xa7: {  	s28 =	simm.s32 $_size_execute0_lowered;
	s3 =	sadd.s32 s3, s5;
	[dreg:$0x0] =	wrdreg $0x0  }
0xa8: {  	s5 =	sshll.u32 s28, $0x1;
	[dreg:$0x2] =	wrdreg s3  }
0xa9: {  	[dreg:$0x3] =	wrdreg s5  }
0xaa: {  	[dreg:$0x4] =	wrdreg $0xC0  }
0xab: {  	_ =	task [dreg:s7], $0x5FFFF  }
0xac: {  	[dreg:$0x1] =	wrdreg $0xFFFFFFFF  }
0xad: {  	[dreg:$0x0] =	wrdreg $0x60  }
0xae: {  	[dreg:$0x2] =	wrdreg s24  }
0xaf: {  	[dreg:$0x3] =	wrdreg s2  }
0xb0: {  	[dreg:$0x4] =	wrdreg $0x9  }
0xb1: {  	_ =	task.clear_ibuf [dreg:s7], $0x5FFFF;
	_ =	strace $0x90000046  }
0xb2: {  	s29 =	simm.s32 $0x9;
	_ =	strace $0x80000048  }
0xb3: {  	_ =	swait.ge [sflag:s29], $0x1  }
0xb4: {  	[sflag:s29] =	ssyncadd.s32 $0xFFFFFFFF  }
0xb5: {  	_ =	strace $0x90000048  }
0xb6: {  	_ =	sfence  }
0xb7: {  	s30 =	sld [smem:$0x0];
	_ =	sdelay $0x2  }
0xb8: {  	s31 =	sshll.u32 s1, $0xD;
	s1 =	sshrl.u32 s1, $0x2  }
0xb9: {  	s3 =	sand.u32 $0x4000, s31;
	s1 =	sadd.s32 s1, s30  }
0xba: {  	s0 =	sor.u32 s3, s0;
	s1 =	sshll.u32 s1, $0x11  }
0xbb: {  	s0 =	sor.u32 s1, s0  }
0xbc: {  	s0 =	sadd.s32 $0x8F2B, s0  }
0xbd: {  	[sflag:s0] =	ssyncadd.remote.s32 $0x1  }
0xbe: {  	_ =	sfence.sel $0xFFFF  }
0xbf: {  	[dreg:$0x0] =	wrdreg $0xFFFFFFFF;
	(pc) =	sbr.abs _section_cstart, $3  }
0xc0: {  	[dreg:$0x1] =	wrdreg $0xFFFFFFFF  }
0xc1: {  	_ =	task.clear_ibuf [dreg:s7], $0x2FFFF;
	_ =	strace $0x9FFFFFFF  }
0xc2: {  	(tm) =	ssettm $0x7FFFFFFF  }
0xc3: {  	_ =	shalt  }
tec
execute0_lowered:
.L_overlay_start_1:
0x0: {  	(tag) =	ssettag $0x1  }
0x1: {  	s2 =	stileid.u32  }
0x2: {  	p0 =	sgt.u32 s2, $0x7  }
.Ltmp0:
0x3: {  	_ = 	snop;
	(pc) =	sbr.rel @p0 .LBB2_39-.Ltmp0, $4  }
0x4: {  	_ = 	snop  }
0x5: {  	s1 =	rddreg [dreg:$0x0];
	s10 =	simm.s32 $0x0  }
0x6: {  	[smem:$0x7FF] =	sst s10  }
0x7: {  	s0 =	rddreg [dreg:$0x1];
	_ =	strace $0x80000047  }
0x8: {  	s3 =	srdreg.scid  }
0x9: {  	s2 =	stileid.u32;
	s9 =	sadd.s32 $0xAA00, s1;
	s12 =	simm.s32 $0x6000  }
0xa: {  	s15 =	simm.s32 $0x5000;
	s3 =	sand.u32 $0x1, s3;
	s4 =	sshll.u32 s2, $0x1  }
0xb: {  	s11 =	simm.s32 $0x2800;
	s5 =	sshrl.u32 s2, $0x2;
	s4 =	sor.u32 s3, s4  }
0xc: {  	s7 =	smul.u32 $0x28000, s5;
	s8 =	sshll.u32 s5, $0xA;
	s3 =	ssub.s32 $0x2, s3  }
0xd: {  	s5 =	smul.u32 $0xA000, s5;
	s6 =	sshll.u32 s4, $0x7;
	s26 =	sshrl.u32 s3, $0x1  }
0xe: {  	s4 =	smul.u32 $0xA00, s4;
	s6 =	sand.u32 $0x380, s6;
	s28 =	ssub.s32 s3, s26  }
0xf: {  	s7 =	sor.u32 s7, s6;
	s8 =	sor.u32 s8, s6;
	s5 =	sor.u32 s5, s6  }
0x10: {  	s0 =	sadd.s32 s0, s4;
	s31 =	smax.u32 s28, $0x1;
	s7 =	sshrl.u32 s7, $0x3  }
0x11: {  	s8 =	sshrl.u32 s8, $0x3;
	s29 =	sshrl.u32 s5, $0x3;
	[dreg:$0x6] =	wrdreg s0  }
0x12: {  	[dreg:$0x8] =	wrdreg s31;
	s7 =	sadd.s32 s7, s1;
	s30 =	sadd.s32 s9, s29  }
0x13: {  	s23 =	sadd.s32 s8, s1;
	s24 =	sadd.s32 $0xA00, s7;
	[dreg:$0x7] =	wrdreg s30  }
0x14: {  	v0 =	vlaneseq.u32;
	s13 =	simm.s32 $0x3C00;
	s25 =	sadd.s32 $0xD400, s23;
	[dreg:$0x3] =	wrdreg s24  }
0x15: {  	v2 =	vmul.u32 $0x140, v0;
	s3 =	simm.s32 $0x1;
	s1 =	sadd.s32 $0xD200, s23;
	[dreg:$0x4] =	wrdreg s25  }
0x16: {  	v1 =	vimm.s32 $0x0;
	v4 =	vimm.s32 $0x1;
	v3 =	vor.u32 $0xFF0, v0;
	s9 =	simm.s32 $0x1400;
	[dreg:$0x5] =	wrdreg s1;
	s1 =	simm.s32 $0x0  }
.LBB2_2:
0x17: {  	[dreg:$0x9] =	wrdreg s1  }
0x18: {  	s0 =	rddreg [dreg:$0x7];
	s21 =	simm.s32 $0x80;
	s2 =	simm.s32 $0x400  }
0x19: {  	[tilespmem:s10], [sflag:$0x1] =	stream.strided.gather [hbm4b:s0+s21], $0x1400, s2, s21, $0x38;
	[tilespmem:$0x10100] =	vst v63  }
0x1a: {  	_ =	swait.ge [sflag:s3], $0x1400  }
0x1b: {  	[sflag:s3] =	ssyncset.done $0x0  }
0x1c: {  	s22 =	rddreg [dreg:$0x3];
	[sflag:s3] =	ssyncadd.s32 $0xFFFFEC00  }
0x1d: {  	[tilespmem:s12], [sflag:$0x1] =	stream.strided.gather [hbm4b:s22+s21], $0x5000, s2, s21, $0x38;
	[tilespmem:$0x10100] =	vst v63  }
0x1e: {  	_ =	swait.ge [sflag:s3], $0x5000  }
0x1f: {  	[sflag:s3] =	ssyncset.done $0x0  }
0x20: {  	s24 =	simm.s32 $0x10000;
	s23 =	rddreg [dreg:$0x4];
	[sflag:s3] =	ssyncadd.s32 $0xFFFFB000  }
0x21: {  	[tilespmem:s24], [sflag:$0x1] =	stream.linear.gather [hbm4b:s23+s10], $0x80, $0x38;
	[tilespmem:$0x10100] =	vst v63  }
0x22: {  	_ =	swait.ge [sflag:s3], $0x80  }
0x23: {  	[sflag:s3] =	ssyncset.done $0x0  }
0x24: {  	s26 =	simm.s32 $0x10080;
	s25 =	rddreg [dreg:$0x5];
	[sflag:s3] =	ssyncadd.s32 $0xFFFFFF80  }
0x25: {  	[tilespmem:s26], [sflag:$0x1] =	stream.linear.gather [hbm4b:s25+s10], $0x80, $0x38;
	[tilespmem:$0x10100] =	vst v63  }
0x26: {  	_ =	swait.ge [sflag:s3], $0x80  }
0x27: {  	[sflag:s3] =	ssyncset.done $0x0  }
0x28: {  	s28 =	simm.s32 $0x60;
	[sflag:s3] =	ssyncadd.s32 $0xFFFFFF80  }
0x29: {  	s29 =	simm.s32 $0x10;
	s0 =	simm.s32 $0x1440;
	v7 =	vor.u32 s28, v0;
	v6 =	vld [tilespmem:$0x10000]  }
0x2a: {  	s4 =	simm.s32 $0x30;
	v8 =	vor.u32 s29, v0;
	v5 =	vld [tilespmem:$0x10080];
	[tilespmem:s0+$0x20] =	vst v7  }
0x2b: {  	s30 =	simm.s32 $0x20;
	v10 =	vor.u32 s4, v0;
	[tilespmem:s0+$0xFFFFFFD0] =	vst v8  }
0x2c: {  	s31 =	simm.s32 $0x0;
	v7 =	vor.u32 s30, v0;
	[tilespmem:s0+$0xFFFFFFF0] =	vst v10  }
0x2d: {  	s5 =	simm.s32 $0x40;
	s6 =	simm.s32 $0x50;
	s3 =	simm.s32 $0x70;
	v8 =	vor.u32 s31, v0;
	[tilespmem:s0+$0xFFFFFFE0] =	vst v7  }
0x2e: {  	s1 =	simm.s32 $0x5040;
	s4 =	simm.s32 $0x0;
	v9 =	vor.u32 s5, v0;
	[tilespmem:s0+$0xFFFFFFC0] =	vst v8;
	v7 =	vor.u32 s3, v0;
	v8 =	vor.u32 s6, v0  }
.LBB2_3:
0x2f: {  	[tilespmem:s0+$0x0] =	vst v9;
	s3 =	sadd.s32 $0x80, s3;
	s4 =	sadd.s32 $0x8, s4  }
0x30: {  	s5 =	sadd.s32 $0xFFFFFFA0, s3;
	s6 =	sadd.s32 $0xFFFFFFF0, s3;
	v9 =	vor.u32 s3, v0;
	[tilespmem:s0+$0x10] =	vst v8;
	p0 =	slt.u32 s4, $0x138  }
0x31: {  	s7 =	sadd.s32 $0xFFFFFFE0, s3;
	v8 =	vor.u32 s5, v0;
	s5 =	sadd.s32 $0xFFFFFFB0, s3;
	v10 =	vor.u32 s6, v0;
	[tilespmem:s0+$0x30] =	vst v7;
	s0 =	sadd.s32 $0x80, s0;
	v7 =	vmov v9  }
.Ltmp1:
0x32: {  	s6 =	sadd.s32 $0xFFFFFFD0, s3;
	v11 =	vor.u32 s5, v0;
	s5 =	sadd.s32 $0xFFFFFFC0, s3;
	[tilespmem:s0+$0x20] =	vst v10;
	(pc) =	sbr.rel @p0 .LBB2_3-.Ltmp1, $4  }
0x33: {  	s8 =	sadd.s32 $0xFFFFFF90, s3;
	v9 =	vor.u32 s6, v0;
	[tilespmem:s0+$0xFFFFFFD0] =	vst v8;
	v10 =	vor.u32 s5, v0;
	v8 =	vor.u32 s7, v0  }
0x34: {  	v12 =	vor.u32 s8, v0;
	[tilespmem:s0+$0xFFFFFFE0] =	vst v11  }
0x35: {  	[tilespmem:s0+$0xFFFFFFC0] =	vst v12  }
0x36: {  	[tilespmem:s0+$0xFFFFFFF0] =	vst v10  }
0x37: {  	[tilespmem:s0+$0x0] =	vst v9  }
0x38: {  	[tilespmem:s0+$0x10] =	vst v8  }
0x39: {  	[tilespmem:s0+$0x30] =	vst v7  }
0x3a: {  	[tilespmem:s1+$0xFFFFFFC0] =	vst v1  }
0x3b: {  	[tilespmem:s1+$0x30] =	vst v1  }
0x3c: {  	[tilespmem:s1+$0x20] =	vst v1  }
0x3d: {  	[tilespmem:s1+$0x10] =	vst v1  }
0x3e: {  	[tilespmem:s1+$0x0] =	vst v1  }
0x3f: {  	[tilespmem:s1+$0xFFFFFFF0] =	vst v1  }
0x40: {  	s0 =	simm.s32 $0x0;
	[tilespmem:s1+$0xFFFFFFE0] =	vst v1  }
.LBB2_5:
0x41: {  	s0 =	sadd.s32 $0x8, s0;
	[tilespmem:s1+$0xFFFFFFD0] =	vst v1;
	s1 =	sadd.s32 $0x80, s1  }
0x42: {  	[tilespmem:s1+$0xFFFFFFC0] =	vst v1;
	p0 =	slt.u32 s0, $0xF8  }
0x43: {  	[tilespmem:s1+$0x30] =	vst v1  }
.Ltmp2:
0x44: {  	[tilespmem:s1+$0x20] =	vst v1;
	(pc) =	sbr.rel @p0 .LBB2_5-.Ltmp2, $4  }
0x45: {  	[tilespmem:s1+$0x10] =	vst v1  }
0x46: {  	[tilespmem:s1+$0x0] =	vst v1  }
0x47: {  	[tilespmem:s1+$0xFFFFFFF0] =	vst v1  }
0x48: {  	[tilespmem:s1+$0xFFFFFFE0] =	vst v1  }
0x49: {  	s0 =	simm.s32 $0x0  }
0x4a: {  	v7 =	vadd.s32 s0, v2  }
0x4b: {  	s3 =	simm.s32 $0x3  }
0x4c: {  	s23 =	simm.s32 $0x2;
	v8 =	vadd.s32 s3, v2  }
0x4d: {  	s24 =	simm.s32 $0x1;
	v9 =	vadd.s32 s23, v2  }
0x4e: {  	[tilespmem:s1+$0xFFFFFFD0] =	vst v1;
	v10 =	vadd.s32 s24, v2  }
0x4f: {  	v7 =	vld.idx.msk [tilespmem:v7+s0+$0x0], $0xffff  }
0x50: {  	s25 =	simm.s32 $0x4  }
0x51: {  	s26 =	simm.s32 $0x7;
	v11 =	vadd.s32 s25, v2;
	v12 =	vld.idx.msk [tilespmem:v8+s0+$0x0], $0xffff  }
0x52: {  	s28 =	simm.s32 $0x6;
	v8 =	vadd.s32 s26, v2;
	v9 =	vld.idx.msk [tilespmem:v9+s0+$0x0], $0xffff  }
0x53: {  	s29 =	simm.s32 $0x5;
	v13 =	vadd.s32 s28, v2;
	v10 =	vld.idx.msk [tilespmem:v10+s0+$0x0], $0xffff  }
0x54: {  	v15 =	vadd.s32 s29, v2;
	v7 =	vshll.u32 v7, $0x4  }
0x55: {  	s30 =	simm.s32 $0x8;
	v7 =	vand.u32 $0xFF0, v7  }
0x56: {  	v16 =	vadd.s32 s30, v2;
	v14 =	vld.idx.msk [tilespmem:v11+s0+$0x0], $0xffff;
	v17 =	vxor.u32 v3, v7;
	v7 =	vshll.u32 v12, $0x4  }
0x57: {  	v8 =	vld.idx.msk [tilespmem:v8+s0+$0x0], $0xffff;
	v11 =	vshll.u32 v9, $0x4;
	v7 =	vand.u32 $0xFF0, v7  }
0x58: {  	v9 =	vld.idx.msk [tilespmem:v13+s0+$0x0], $0xffff;
	v10 =	vshll.u32 v10, $0x4;
	v11 =	vand.u32 $0xFF0, v11;
	v13 =	vxor.u32 v3, v7  }
0x59: {  	v12 =	vld.idx.msk [tilespmem:v15+s0+$0x0], $0xffff;
	v15 =	vand.u32 $0xFF0, v10;
	v10 =	vxor.u32 v3, v11  }
0x5a: {  	s31 =	simm.s32 $0xB;
	v11 =	vxor.u32 v3, v15  }
0x5b: {  	s4 =	simm.s32 $0xA;
	v7 =	vld.idx.msk [tilespmem:v16+s0+$0x0], $0xffff;
	v16 =	vadd.s32 s31, v2  }
0x5c: {  	s1 =	simm.s32 $0xC;
	s3 =	simm.s32 $0x9;
	v15 =	vadd.s32 s4, v2;
	[tilespmem:v17+s15+$0x0] =	vst.idx.add.s32.msk $0xffff, v4  }
.LBB2_7:
0x5d: {  	p0 =	slt.u32 s1, $0x13C;
	v17 =	vadd.s32 s3, v2;
	v14 =	vshll.u32 v14, $0x4;
	[tilespmem:v13+s15+$0x0] =	vst.idx.add.s32.msk $0xffff, v4  }
0x5e: {  	v18 =	vadd.s32 s1, v2;
	v8 =	vshll.u32 v8, $0x4;
	v13 =	vand.u32 $0xFF0, v14;
	[tilespmem:v10+s15+$0x0] =	vst.idx.add.s32.msk $0xffff, v4  }
0x5f: {  	v9 =	vshll.u32 v9, $0x4;
	v10 =	vand.u32 $0xFF0, v8;
	v19 =	vxor.u32 v3, v13;
	[tilespmem:v11+s15+$0x0] =	vst.idx.add.s32.msk $0xffff, v4  }
.Ltmp3:
0x60: {  	v11 =	vshll.u32 v12, $0x4;
	v12 =	vand.u32 $0xFF0, v9;
	v13 =	vxor.u32 v3, v10;
	v8 =	vld.idx.msk [tilespmem:v16+s0+$0x0], $0xffff;
	(pc) =	sbr.rel @p0 .LBB2_7-.Ltmp3, $4  }
0x61: {  	v11 =	vand.u32 $0xFF0, v11;
	v10 =	vxor.u32 v3, v12;
	v14 =	vmov v7;
	v9 =	vld.idx.msk [tilespmem:v15+s0+$0x0], $0xffff  }
0x62: {  	s3 =	sadd.s32 $0x3, s1;
	v11 =	vxor.u32 v3, v11;
	v12 =	vld.idx.msk [tilespmem:v17+s0+$0x0], $0xffff  }
0x63: {  	s4 =	sadd.s32 $0x2, s1;
	v16 =	vadd.s32 s3, v2;
	v7 =	vld.idx.msk [tilespmem:v18+s0+$0x0], $0xffff  }
0x64: {  	s3 =	sadd.s32 $0x1, s1;
	s1 =	sadd.s32 $0x4, s1;
	v15 =	vadd.s32 s4, v2;
	[tilespmem:v19+s15+$0x0] =	vst.idx.add.s32.msk $0xffff, v4  }
0x65: {  	_ = 	snop  }
0x66: {  	v17 =	vadd.s32 s3, v2;
	_ =	sdelay $0x2  }
0x67: {  	v14 =	vshll.u32 v14, $0x4;
	v16 =	vld.idx.msk [tilespmem:v16+s0+$0x0], $0xffff  }
0x68: {  	v8 =	vshll.u32 v8, $0x4;
	v15 =	vld.idx.msk [tilespmem:v15+s0+$0x0], $0xffff;
	v14 =	vand.u32 $0xFF0, v14  }
0x69: {  	v9 =	vshll.u32 v9, $0x4;
	v8 =	vand.u32 $0xFF0, v8;
	v14 =	vxor.u32 v3, v14;
	v17 =	vld.idx.msk [tilespmem:v17+s0+$0x0], $0xffff  }
0x6a: {  	v12 =	vshll.u32 v12, $0x4;
	v9 =	vand.u32 $0xFF0, v9;
	v8 =	vxor.u32 v3, v8  }
0x6b: {  	[tilespmem:v13+s15+$0x0] =	vst.idx.add.s32.msk $0xffff, v4;
	v12 =	vand.u32 $0xFF0, v12;
	v9 =	vxor.u32 v3, v9;
	v7 =	vshll.u32 v7, $0x4  }
0x6c: {  	[tilespmem:v10+s15+$0x0] =	vst.idx.add.s32.msk $0xffff, v4;
	v60 =	vxor.u32 v3, v12;
	v7 =	vand.u32 $0xFF0, v7;
	v61 =	vshll.u32 v16, $0x4  }
0x6d: {  	[tilespmem:v11+s15+$0x0] =	vst.idx.add.s32.msk $0xffff, v4;
	v7 =	vxor.u32 v3, v7;
	v62 =	vshll.u32 v15, $0x4;
	v12 =	vand.u32 $0xFF0, v61  }
0x6e: {  	v11 =	vand.u32 $0xFF0, v62;
	[tilespmem:v14+s15+$0x0] =	vst.idx.add.s32.msk $0xffff, v4;
	v12 =	vxor.u32 v3, v12;
	v63 =	vshll.u32 v17, $0x4  }
0x6f: {  	[tilespmem:v8+s15+$0x0] =	vst.idx.add.s32.msk $0xffff, v4;
	v11 =	vxor.u32 v3, v11;
	v8 =	vand.u32 $0xFF0, v63  }
0x70: {  	[tilespmem:v9+s15+$0x0] =	vst.idx.add.s32.msk $0xffff, v4;
	v8 =	vxor.u32 v3, v8  }
0x71: {  	[tilespmem:v60+s15+$0x0] =	vst.idx.add.s32.msk $0xffff, v4  }
0x72: {  	[tilespmem:v7+s15+$0x0] =	vst.idx.add.s32.msk $0xffff, v4  }
0x73: {  	[tilespmem:v12+s15+$0x0] =	vst.idx.add.s32.msk $0xffff, v4  }
0x74: {  	[tilespmem:v11+s15+$0x0] =	vst.idx.add.s32.msk $0xffff, v4  }
0x75: {  	s4 =	simm.s32 $0x0;
	[tilespmem:v8+s15+$0x0] =	vst.idx.add.s32.msk $0xffff, v4  }
0x76: {  	v7 =	vld [tilespmem:s4+$0x5000];
	_ =	sdelay $0x4  }
0x77: {  	(xrf0) =	vadd.scan.msk.s32 $0xffff, v7;
	_ =	sdelay $0x5  }
0x78: {  	v8, _, _ =	vpop (xrf0)  }
0x79: {  	(v2sf) =	vpush v8, $0xF  }
0x7a: {  	v7 =	vsub.s32 s0, v7  }
0x7b: {  	v7 =	vadd.s32 v8, v7  }
0x7c: {  	s1 =	simm.s32 $0x10;
	s3 =	simm.s32 $0x80;
	[tilespmem:s4+$0x5000] =	vst v7  }
.LBB2_9:
0x7d: {  	p0 =	sne.s32 s3, $0x3FC0;
	v7 =	vld [tilespmem:s1+$0x5000];
	_ =	sdelay $0x4  }
0x7e: {  	(xrf0) =	vadd.scan.msk.s32 $0xffff, v7;
	_ =	sdelay $0x5  }
.Ltmp4:
0x7f: {  	v8, _, _ =	vpop (xrf0);
	s4 =	spop (v2sf);
	(pc) =	sbr.rel @p0 .LBB2_9-.Ltmp4, $4  }
0x80: {  	(v2sf) =	vpush v8, $0xF;
	s0 =	sadd.s32 s0, s4  }
0x81: {  	v7 =	vsub.s32 s0, v7  }
0x82: {  	v7 =	vadd.s32 v8, v7  }
0x83: {  	[tilespmem:s1+$0x5000] =	vst v7;
	s1 =	sshra.s32 s3, $0x2;
	s3 =	sadd.s32 $0x40, s3  }
0x84: {  	v7 =	vld [tilespmem:s1+$0x5000];
	_ =	sdelay $0x4  }
0x85: {  	(xrf0) =	vadd.scan.msk.s32 $0xffff, v7;
	_ =	sdelay $0x5  }
0x86: {  	v8, _, _ =	vpop (xrf0)  }
0x87: {  	(v2sf) =	vpush v8, $0xF;
	_ =	sdelay $0xa  }
0x88: {  	s3 =	spop (v2sf)  }
0x89: {  	s0 =	sadd.s32 s0, s3  }
0x8a: {  	v7 =	vsub.s32 s0, v7  }
0x8b: {  	v7 =	vadd.s32 v8, v7  }
0x8c: {  	s0 =	simm.s32 $0x0;
	[tilespmem:s1+$0x5000] =	vst v7;
	s31 =	spop (v2sf)  }
.LBB2_11:
0x8d: {  	v7 =	vadd.s32 s0, v2;
	_ =	sdelay $0x4  }
0x8e: {  	v8 =	vld.idx.msk [tilespmem:v7+s10+$0x0], $0xffff;
	_ =	sdelay $0x4  }
0x8f: {  	v9 =	vshll.u32 v8, $0x4  }
0x90: {  	v9 =	vand.u32 $0xFF0, v9  }
0x91: {  	v9 =	vxor.u32 v3, v9;
	_ =	sdelay $0x4  }
0x92: {  	v10 =	vld.idx.msk [tilespmem:v9+s15+$0x0], $0xffff;
	_ =	sdelay $0x3  }
0x93: {  	p0 =	sne.s32 s0, $0x13F;
	v7 =	vld.idx.msk [tilespmem:v7+s9+$0x0], $0xffff  }
.Ltmp5:
0x94: {  	_ = 	snop;
	(pc) =	sbr.rel @p0 .LBB2_11-.Ltmp5, $4  }
0x95: {  	_ = 	snop  }
0x96: {  	[tilespmem:v9+s15+$0x0] =	vst.idx.add.s32.msk $0xffff, v4  }
0x97: {  	[tilespmem:v10+s11+$0x0] =	vst.idx.msk $0xffff, v8  }
0x98: {  	s0 =	sadd.s32 $0x1, s0;
	[tilespmem:v10+s13+$0x0] =	vst.idx.msk $0xffff, v7  }
0x99: {  	s1 =	simm.s32 $0x5040  }
0x9a: {  	[tilespmem:s1+$0xFFFFFFC0] =	vst v1  }
0x9b: {  	[tilespmem:s1+$0x30] =	vst v1  }
0x9c: {  	[tilespmem:s1+$0x20] =	vst v1  }
0x9d: {  	[tilespmem:s1+$0x10] =	vst v1  }
0x9e: {  	[tilespmem:s1+$0x0] =	vst v1  }
0x9f: {  	[tilespmem:s1+$0xFFFFFFF0] =	vst v1  }
0xa0: {  	s0 =	simm.s32 $0x0;
	[tilespmem:s1+$0xFFFFFFE0] =	vst v1  }
.LBB2_13:
0xa1: {  	s0 =	sadd.s32 $0x8, s0;
	[tilespmem:s1+$0xFFFFFFD0] =	vst v1;
	s1 =	sadd.s32 $0x80, s1  }
0xa2: {  	[tilespmem:s1+$0xFFFFFFC0] =	vst v1;
	p0 =	slt.u32 s0, $0xF8  }
0xa3: {  	[tilespmem:s1+$0x30] =	vst v1  }
.Ltmp6:
0xa4: {  	[tilespmem:s1+$0x20] =	vst v1;
	(pc) =	sbr.rel @p0 .LBB2_13-.Ltmp6, $4  }
0xa5: {  	[tilespmem:s1+$0x10] =	vst v1  }
0xa6: {  	[tilespmem:s1+$0x0] =	vst v1  }
0xa7: {  	[tilespmem:s1+$0xFFFFFFF0] =	vst v1  }
0xa8: {  	[tilespmem:s1+$0xFFFFFFE0] =	vst v1  }
0xa9: {  	s0 =	simm.s32 $0x0  }
0xaa: {  	v7 =	vadd.s32 s0, v2  }
0xab: {  	s3 =	simm.s32 $0x3  }
0xac: {  	s23 =	simm.s32 $0x2;
	v8 =	vadd.s32 s3, v2  }
0xad: {  	s24 =	simm.s32 $0x1;
	v9 =	vadd.s32 s23, v2  }
0xae: {  	[tilespmem:s1+$0xFFFFFFD0] =	vst v1;
	v10 =	vadd.s32 s24, v2  }
0xaf: {  	v7 =	vld.idx.msk [tilespmem:v7+s11+$0x0], $0xffff  }
0xb0: {  	s25 =	simm.s32 $0x4  }
0xb1: {  	s26 =	simm.s32 $0x7;
	v11 =	vadd.s32 s25, v2;
	v12 =	vld.idx.msk [tilespmem:v8+s11+$0x0], $0xffff  }
0xb2: {  	s28 =	simm.s32 $0x6;
	v8 =	vadd.s32 s26, v2;
	v9 =	vld.idx.msk [tilespmem:v9+s11+$0x0], $0xffff  }
0xb3: {  	s29 =	simm.s32 $0x5;
	v13 =	vadd.s32 s28, v2;
	v10 =	vld.idx.msk [tilespmem:v10+s11+$0x0], $0xffff  }
0xb4: {  	v15 =	vadd.s32 s29, v2;
	v7 =	vshrl.u32 v7, $0x4  }
0xb5: {  	s30 =	simm.s32 $0x8;
	v7 =	vand.u32 $0xFF0, v7  }
0xb6: {  	v16 =	vadd.s32 s30, v2;
	v14 =	vld.idx.msk [tilespmem:v11+s11+$0x0], $0xffff;
	v17 =	vxor.u32 v3, v7;
	v7 =	vshrl.u32 v12, $0x4  }
0xb7: {  	v8 =	vld.idx.msk [tilespmem:v8+s11+$0x0], $0xffff;
	v11 =	vshrl.u32 v9, $0x4;
	v7 =	vand.u32 $0xFF0, v7  }
0xb8: {  	v9 =	vld.idx.msk [tilespmem:v13+s11+$0x0], $0xffff;
	v10 =	vshrl.u32 v10, $0x4;
	v11 =	vand.u32 $0xFF0, v11;
	v13 =	vxor.u32 v3, v7  }
0xb9: {  	v12 =	vld.idx.msk [tilespmem:v15+s11+$0x0], $0xffff;
	v15 =	vand.u32 $0xFF0, v10;
	v10 =	vxor.u32 v3, v11  }
0xba: {  	s31 =	simm.s32 $0xB;
	v11 =	vxor.u32 v3, v15  }
0xbb: {  	s4 =	simm.s32 $0xA;
	v7 =	vld.idx.msk [tilespmem:v16+s11+$0x0], $0xffff;
	v16 =	vadd.s32 s31, v2  }
0xbc: {  	s1 =	simm.s32 $0xC;
	s3 =	simm.s32 $0x9;
	v15 =	vadd.s32 s4, v2;
	[tilespmem:v17+s15+$0x0] =	vst.idx.add.s32.msk $0xffff, v4  }
.LBB2_15:
0xbd: {  	p0 =	slt.u32 s1, $0x13C;
	v17 =	vadd.s32 s3, v2;
	v14 =	vshrl.u32 v14, $0x4;
	[tilespmem:v13+s15+$0x0] =	vst.idx.add.s32.msk $0xffff, v4  }
0xbe: {  	v18 =	vadd.s32 s1, v2;
	v8 =	vshrl.u32 v8, $0x4;
	v13 =	vand.u32 $0xFF0, v14;
	[tilespmem:v10+s15+$0x0] =	vst.idx.add.s32.msk $0xffff, v4  }
0xbf: {  	v9 =	vshrl.u32 v9, $0x4;
	v10 =	vand.u32 $0xFF0, v8;
	v19 =	vxor.u32 v3, v13;
	[tilespmem:v11+s15+$0x0] =	vst.idx.add.s32.msk $0xffff, v4  }
.Ltmp7:
0xc0: {  	v11 =	vshrl.u32 v12, $0x4;
	v12 =	vand.u32 $0xFF0, v9;
	v13 =	vxor.u32 v3, v10;
	v8 =	vld.idx.msk [tilespmem:v16+s11+$0x0], $0xffff;
	(pc) =	sbr.rel @p0 .LBB2_15-.Ltmp7, $4  }
0xc1: {  	v11 =	vand.u32 $0xFF0, v11;
	v10 =	vxor.u32 v3, v12;
	v14 =	vmov v7;
	v9 =	vld.idx.msk [tilespmem:v15+s11+$0x0], $0xffff  }
0xc2: {  	s3 =	sadd.s32 $0x3, s1;
	v11 =	vxor.u32 v3, v11;
	v12 =	vld.idx.msk [tilespmem:v17+s11+$0x0], $0xffff  }
0xc3: {  	s4 =	sadd.s32 $0x2, s1;
	v16 =	vadd.s32 s3, v2;
	v7 =	vld.idx.msk [tilespmem:v18+s11+$0x0], $0xffff  }
0xc4: {  	s3 =	sadd.s32 $0x1, s1;
	s1 =	sadd.s32 $0x4, s1;
	v15 =	vadd.s32 s4, v2;
	[tilespmem:v19+s15+$0x0] =	vst.idx.add.s32.msk $0xffff, v4  }
0xc5: {  	_ = 	snop  }
0xc6: {  	v17 =	vadd.s32 s3, v2;
	_ =	sdelay $0x2  }
0xc7: {  	v14 =	vshrl.u32 v14, $0x4;
	v16 =	vld.idx.msk [tilespmem:v16+s11+$0x0], $0xffff  }
0xc8: {  	v8 =	vshrl.u32 v8, $0x4;
	v15 =	vld.idx.msk [tilespmem:v15+s11+$0x0], $0xffff;
	v14 =	vand.u32 $0xFF0, v14  }
0xc9: {  	v9 =	vshrl.u32 v9, $0x4;
	v8 =	vand.u32 $0xFF0, v8;
	v14 =	vxor.u32 v3, v14;
	v17 =	vld.idx.msk [tilespmem:v17+s11+$0x0], $0xffff  }
0xca: {  	v12 =	vshrl.u32 v12, $0x4;
	v9 =	vand.u32 $0xFF0, v9;
	v8 =	vxor.u32 v3, v8  }
0xcb: {  	[tilespmem:v13+s15+$0x0] =	vst.idx.add.s32.msk $0xffff, v4;
	v12 =	vand.u32 $0xFF0, v12;
	v9 =	vxor.u32 v3, v9;
	v7 =	vshrl.u32 v7, $0x4  }
0xcc: {  	[tilespmem:v10+s15+$0x0] =	vst.idx.add.s32.msk $0xffff, v4;
	v60 =	vxor.u32 v3, v12;
	v7 =	vand.u32 $0xFF0, v7;
	v61 =	vshrl.u32 v16, $0x4  }
0xcd: {  	[tilespmem:v11+s15+$0x0] =	vst.idx.add.s32.msk $0xffff, v4;
	v7 =	vxor.u32 v3, v7;
	v62 =	vshrl.u32 v15, $0x4;
	v12 =	vand.u32 $0xFF0, v61  }
0xce: {  	v11 =	vand.u32 $0xFF0, v62;
	[tilespmem:v14+s15+$0x0] =	vst.idx.add.s32.msk $0xffff, v4;
	v12 =	vxor.u32 v3, v12;
	v63 =	vshrl.u32 v17, $0x4  }
0xcf: {  	[tilespmem:v8+s15+$0x0] =	vst.idx.add.s32.msk $0xffff, v4;
	v11 =	vxor.u32 v3, v11;
	v8 =	vand.u32 $0xFF0, v63  }
0xd0: {  	[tilespmem:v9+s15+$0x0] =	vst.idx.add.s32.msk $0xffff, v4;
	v8 =	vxor.u32 v3, v8  }
0xd1: {  	[tilespmem:v60+s15+$0x0] =	vst.idx.add.s32.msk $0xffff, v4  }
0xd2: {  	[tilespmem:v7+s15+$0x0] =	vst.idx.add.s32.msk $0xffff, v4  }
0xd3: {  	[tilespmem:v12+s15+$0x0] =	vst.idx.add.s32.msk $0xffff, v4  }
0xd4: {  	[tilespmem:v11+s15+$0x0] =	vst.idx.add.s32.msk $0xffff, v4  }
0xd5: {  	s4 =	simm.s32 $0x0;
	[tilespmem:v8+s15+$0x0] =	vst.idx.add.s32.msk $0xffff, v4  }
0xd6: {  	v7 =	vld [tilespmem:s4+$0x5000];
	_ =	sdelay $0x4  }
0xd7: {  	(xrf0) =	vadd.scan.msk.s32 $0xffff, v7;
	_ =	sdelay $0x5  }
0xd8: {  	v8, _, _ =	vpop (xrf0)  }
0xd9: {  	(v2sf) =	vpush v8, $0xF  }
0xda: {  	v7 =	vsub.s32 s0, v7  }
0xdb: {  	v7 =	vadd.s32 v8, v7  }
0xdc: {  	s1 =	simm.s32 $0x10;
	s3 =	simm.s32 $0x80;
	[tilespmem:s4+$0x5000] =	vst v7  }
.LBB2_17:
0xdd: {  	p0 =	sne.s32 s3, $0x3FC0;
	v7 =	vld [tilespmem:s1+$0x5000];
	_ =	sdelay $0x4  }
0xde: {  	(xrf0) =	vadd.scan.msk.s32 $0xffff, v7;
	_ =	sdelay $0x5  }
.Ltmp8:
0xdf: {  	v8, _, _ =	vpop (xrf0);
	s4 =	spop (v2sf);
	(pc) =	sbr.rel @p0 .LBB2_17-.Ltmp8, $4  }
0xe0: {  	(v2sf) =	vpush v8, $0xF;
	s0 =	sadd.s32 s0, s4  }
0xe1: {  	v7 =	vsub.s32 s0, v7  }
0xe2: {  	v7 =	vadd.s32 v8, v7  }
0xe3: {  	[tilespmem:s1+$0x5000] =	vst v7;
	s1 =	sshra.s32 s3, $0x2;
	s3 =	sadd.s32 $0x40, s3  }
0xe4: {  	v7 =	vld [tilespmem:s1+$0x5000];
	_ =	sdelay $0x4  }
0xe5: {  	(xrf0) =	vadd.scan.msk.s32 $0xffff, v7;
	_ =	sdelay $0x5  }
0xe6: {  	v8, _, _ =	vpop (xrf0)  }
0xe7: {  	(v2sf) =	vpush v8, $0xF;
	_ =	sdelay $0xa  }
0xe8: {  	s3 =	spop (v2sf)  }
0xe9: {  	s0 =	sadd.s32 s0, s3  }
0xea: {  	v7 =	vsub.s32 s0, v7  }
0xeb: {  	v7 =	vadd.s32 v8, v7  }
0xec: {  	s0 =	simm.s32 $0x0;
	[tilespmem:s1+$0x5000] =	vst v7;
	s31 =	spop (v2sf)  }
.LBB2_19:
0xed: {  	v7 =	vadd.s32 s0, v2;
	_ =	sdelay $0x4  }
0xee: {  	v8 =	vld.idx.msk [tilespmem:v7+s11+$0x0], $0xffff;
	_ =	sdelay $0x4  }
0xef: {  	v9 =	vshrl.u32 v8, $0x4  }
0xf0: {  	v9 =	vand.u32 $0xFF0, v9  }
0xf1: {  	v9 =	vxor.u32 v3, v9;
	_ =	sdelay $0x4  }
0xf2: {  	v10 =	vld.idx.msk [tilespmem:v9+s15+$0x0], $0xffff;
	_ =	sdelay $0x3  }
0xf3: {  	p0 =	sne.s32 s0, $0x13F;
	v7 =	vld.idx.msk [tilespmem:v7+s13+$0x0], $0xffff  }
.Ltmp9:
0xf4: {  	_ = 	snop;
	(pc) =	sbr.rel @p0 .LBB2_19-.Ltmp9, $4  }
0xf5: {  	_ = 	snop  }
0xf6: {  	[tilespmem:v9+s15+$0x0] =	vst.idx.add.s32.msk $0xffff, v4  }
0xf7: {  	[tilespmem:v10+s10+$0x0] =	vst.idx.msk $0xffff, v8  }
0xf8: {  	s0 =	sadd.s32 $0x1, s0;
	[tilespmem:v10+s9+$0x0] =	vst.idx.msk $0xffff, v7  }
0xf9: {  	s1 =	simm.s32 $0x5040  }
0xfa: {  	[tilespmem:s1+$0xFFFFFFC0] =	vst v1  }
0xfb: {  	[tilespmem:s1+$0x30] =	vst v1  }
0xfc: {  	[tilespmem:s1+$0x20] =	vst v1  }
0xfd: {  	[tilespmem:s1+$0x10] =	vst v1  }
0xfe: {  	[tilespmem:s1+$0x0] =	vst v1  }
0xff: {  	[tilespmem:s1+$0xFFFFFFF0] =	vst v1  }
0x100: {  	s0 =	simm.s32 $0x0;
	[tilespmem:s1+$0xFFFFFFE0] =	vst v1  }
.LBB2_21:
0x101: {  	s0 =	sadd.s32 $0x8, s0;
	[tilespmem:s1+$0xFFFFFFD0] =	vst v1;
	s1 =	sadd.s32 $0x80, s1  }
0x102: {  	[tilespmem:s1+$0xFFFFFFC0] =	vst v1;
	p0 =	slt.u32 s0, $0xF8  }
0x103: {  	[tilespmem:s1+$0x30] =	vst v1  }
.Ltmp10:
0x104: {  	[tilespmem:s1+$0x20] =	vst v1;
	(pc) =	sbr.rel @p0 .LBB2_21-.Ltmp10, $4  }
0x105: {  	[tilespmem:s1+$0x10] =	vst v1  }
0x106: {  	[tilespmem:s1+$0x0] =	vst v1  }
0x107: {  	[tilespmem:s1+$0xFFFFFFF0] =	vst v1  }
0x108: {  	[tilespmem:s1+$0xFFFFFFE0] =	vst v1  }
0x109: {  	s0 =	simm.s32 $0x0  }
0x10a: {  	v7 =	vadd.s32 s0, v2  }
0x10b: {  	s3 =	simm.s32 $0x3  }
0x10c: {  	s23 =	simm.s32 $0x2;
	v8 =	vadd.s32 s3, v2  }
0x10d: {  	s24 =	simm.s32 $0x1;
	v9 =	vadd.s32 s23, v2  }
0x10e: {  	[tilespmem:s1+$0xFFFFFFD0] =	vst v1;
	v10 =	vadd.s32 s24, v2  }
0x10f: {  	v7 =	vld.idx.msk [tilespmem:v7+s0+$0x0], $0xffff  }
0x110: {  	s25 =	simm.s32 $0x4  }
0x111: {  	s26 =	simm.s32 $0x7;
	v11 =	vadd.s32 s25, v2;
	v12 =	vld.idx.msk [tilespmem:v8+s0+$0x0], $0xffff  }
0x112: {  	s28 =	simm.s32 $0x6;
	v8 =	vadd.s32 s26, v2;
	v9 =	vld.idx.msk [tilespmem:v9+s0+$0x0], $0xffff  }
0x113: {  	s29 =	simm.s32 $0x5;
	v13 =	vadd.s32 s28, v2;
	v10 =	vld.idx.msk [tilespmem:v10+s0+$0x0], $0xffff  }
0x114: {  	v15 =	vadd.s32 s29, v2;
	v7 =	vshrl.u32 v7, $0xC  }
0x115: {  	s30 =	simm.s32 $0x8;
	v7 =	vand.u32 $0xFF0, v7  }
0x116: {  	v16 =	vadd.s32 s30, v2;
	v14 =	vld.idx.msk [tilespmem:v11+s0+$0x0], $0xffff;
	v17 =	vxor.u32 v3, v7;
	v7 =	vshrl.u32 v12, $0xC  }
0x117: {  	v8 =	vld.idx.msk [tilespmem:v8+s0+$0x0], $0xffff;
	v11 =	vshrl.u32 v9, $0xC;
	v7 =	vand.u32 $0xFF0, v7  }
0x118: {  	v9 =	vld.idx.msk [tilespmem:v13+s0+$0x0], $0xffff;
	v10 =	vshrl.u32 v10, $0xC;
	v11 =	vand.u32 $0xFF0, v11;
	v13 =	vxor.u32 v3, v7  }
0x119: {  	v12 =	vld.idx.msk [tilespmem:v15+s0+$0x0], $0xffff;
	v15 =	vand.u32 $0xFF0, v10;
	v10 =	vxor.u32 v3, v11  }
0x11a: {  	s31 =	simm.s32 $0xB;
	v11 =	vxor.u32 v3, v15  }
0x11b: {  	s4 =	simm.s32 $0xA;
	v7 =	vld.idx.msk [tilespmem:v16+s0+$0x0], $0xffff;
	v16 =	vadd.s32 s31, v2  }
0x11c: {  	s1 =	simm.s32 $0xC;
	s3 =	simm.s32 $0x9;
	v15 =	vadd.s32 s4, v2;
	[tilespmem:v17+s15+$0x0] =	vst.idx.add.s32.msk $0xffff, v4  }
.LBB2_23:
0x11d: {  	p0 =	slt.u32 s1, $0x13C;
	v17 =	vadd.s32 s3, v2;
	v14 =	vshrl.u32 v14, $0xC;
	[tilespmem:v13+s15+$0x0] =	vst.idx.add.s32.msk $0xffff, v4  }
0x11e: {  	v18 =	vadd.s32 s1, v2;
	v8 =	vshrl.u32 v8, $0xC;
	v13 =	vand.u32 $0xFF0, v14;
	[tilespmem:v10+s15+$0x0] =	vst.idx.add.s32.msk $0xffff, v4  }
0x11f: {  	v9 =	vshrl.u32 v9, $0xC;
	v10 =	vand.u32 $0xFF0, v8;
	v19 =	vxor.u32 v3, v13;
	[tilespmem:v11+s15+$0x0] =	vst.idx.add.s32.msk $0xffff, v4  }
.Ltmp11:
0x120: {  	v11 =	vshrl.u32 v12, $0xC;
	v12 =	vand.u32 $0xFF0, v9;
	v13 =	vxor.u32 v3, v10;
	v8 =	vld.idx.msk [tilespmem:v16+s0+$0x0], $0xffff;
	(pc) =	sbr.rel @p0 .LBB2_23-.Ltmp11, $4  }
0x121: {  	v11 =	vand.u32 $0xFF0, v11;
	v10 =	vxor.u32 v3, v12;
	v14 =	vmov v7;
	v9 =	vld.idx.msk [tilespmem:v15+s0+$0x0], $0xffff  }
0x122: {  	s3 =	sadd.s32 $0x3, s1;
	v11 =	vxor.u32 v3, v11;
	v12 =	vld.idx.msk [tilespmem:v17+s0+$0x0], $0xffff  }
0x123: {  	s4 =	sadd.s32 $0x2, s1;
	v16 =	vadd.s32 s3, v2;
	v7 =	vld.idx.msk [tilespmem:v18+s0+$0x0], $0xffff  }
0x124: {  	s3 =	sadd.s32 $0x1, s1;
	s1 =	sadd.s32 $0x4, s1;
	v15 =	vadd.s32 s4, v2;
	[tilespmem:v19+s15+$0x0] =	vst.idx.add.s32.msk $0xffff, v4  }
0x125: {  	_ = 	snop  }
0x126: {  	v17 =	vadd.s32 s3, v2;
	_ =	sdelay $0x2  }
0x127: {  	v14 =	vshrl.u32 v14, $0xC;
	v16 =	vld.idx.msk [tilespmem:v16+s0+$0x0], $0xffff  }
0x128: {  	v8 =	vshrl.u32 v8, $0xC;
	v15 =	vld.idx.msk [tilespmem:v15+s0+$0x0], $0xffff;
	v14 =	vand.u32 $0xFF0, v14  }
0x129: {  	v9 =	vshrl.u32 v9, $0xC;
	v8 =	vand.u32 $0xFF0, v8;
	v14 =	vxor.u32 v3, v14;
	v17 =	vld.idx.msk [tilespmem:v17+s0+$0x0], $0xffff  }
0x12a: {  	v12 =	vshrl.u32 v12, $0xC;
	v9 =	vand.u32 $0xFF0, v9;
	v8 =	vxor.u32 v3, v8  }
0x12b: {  	[tilespmem:v13+s15+$0x0] =	vst.idx.add.s32.msk $0xffff, v4;
	v12 =	vand.u32 $0xFF0, v12;
	v9 =	vxor.u32 v3, v9;
	v7 =	vshrl.u32 v7, $0xC  }
0x12c: {  	[tilespmem:v10+s15+$0x0] =	vst.idx.add.s32.msk $0xffff, v4;
	v60 =	vxor.u32 v3, v12;
	v7 =	vand.u32 $0xFF0, v7;
	v61 =	vshrl.u32 v16, $0xC  }
0x12d: {  	[tilespmem:v11+s15+$0x0] =	vst.idx.add.s32.msk $0xffff, v4;
	v7 =	vxor.u32 v3, v7;
	v62 =	vshrl.u32 v15, $0xC;
	v12 =	vand.u32 $0xFF0, v61  }
0x12e: {  	v11 =	vand.u32 $0xFF0, v62;
	[tilespmem:v14+s15+$0x0] =	vst.idx.add.s32.msk $0xffff, v4;
	v12 =	vxor.u32 v3, v12;
	v63 =	vshrl.u32 v17, $0xC  }
0x12f: {  	[tilespmem:v8+s15+$0x0] =	vst.idx.add.s32.msk $0xffff, v4;
	v11 =	vxor.u32 v3, v11;
	v8 =	vand.u32 $0xFF0, v63  }
0x130: {  	[tilespmem:v9+s15+$0x0] =	vst.idx.add.s32.msk $0xffff, v4;
	v8 =	vxor.u32 v3, v8  }
0x131: {  	[tilespmem:v60+s15+$0x0] =	vst.idx.add.s32.msk $0xffff, v4  }
0x132: {  	[tilespmem:v7+s15+$0x0] =	vst.idx.add.s32.msk $0xffff, v4  }
0x133: {  	[tilespmem:v12+s15+$0x0] =	vst.idx.add.s32.msk $0xffff, v4  }
0x134: {  	[tilespmem:v11+s15+$0x0] =	vst.idx.add.s32.msk $0xffff, v4  }
0x135: {  	s4 =	simm.s32 $0x0;
	[tilespmem:v8+s15+$0x0] =	vst.idx.add.s32.msk $0xffff, v4  }
0x136: {  	v7 =	vld [tilespmem:s4+$0x5000];
	_ =	sdelay $0x4  }
0x137: {  	(xrf0) =	vadd.scan.msk.s32 $0xffff, v7;
	_ =	sdelay $0x5  }
0x138: {  	v8, _, _ =	vpop (xrf0)  }
0x139: {  	(v2sf) =	vpush v8, $0xF  }
0x13a: {  	v7 =	vsub.s32 s0, v7  }
0x13b: {  	v7 =	vadd.s32 v8, v7  }
0x13c: {  	s1 =	simm.s32 $0x10;
	s3 =	simm.s32 $0x80;
	[tilespmem:s4+$0x5000] =	vst v7  }
.LBB2_25:
0x13d: {  	p0 =	sne.s32 s3, $0x3FC0;
	v7 =	vld [tilespmem:s1+$0x5000];
	_ =	sdelay $0x4  }
0x13e: {  	(xrf0) =	vadd.scan.msk.s32 $0xffff, v7;
	_ =	sdelay $0x5  }
.Ltmp12:
0x13f: {  	v8, _, _ =	vpop (xrf0);
	s4 =	spop (v2sf);
	(pc) =	sbr.rel @p0 .LBB2_25-.Ltmp12, $4  }
0x140: {  	(v2sf) =	vpush v8, $0xF;
	s0 =	sadd.s32 s0, s4  }
0x141: {  	v7 =	vsub.s32 s0, v7  }
0x142: {  	v7 =	vadd.s32 v8, v7  }
0x143: {  	[tilespmem:s1+$0x5000] =	vst v7;
	s1 =	sshra.s32 s3, $0x2;
	s3 =	sadd.s32 $0x40, s3  }
0x144: {  	v7 =	vld [tilespmem:s1+$0x5000];
	_ =	sdelay $0x4  }
0x145: {  	(xrf0) =	vadd.scan.msk.s32 $0xffff, v7;
	_ =	sdelay $0x5  }
0x146: {  	v8, _, _ =	vpop (xrf0)  }
0x147: {  	(v2sf) =	vpush v8, $0xF;
	_ =	sdelay $0xa  }
0x148: {  	s3 =	spop (v2sf)  }
0x149: {  	s0 =	sadd.s32 s0, s3  }
0x14a: {  	v7 =	vsub.s32 s0, v7  }
0x14b: {  	v7 =	vadd.s32 v8, v7  }
0x14c: {  	s0 =	simm.s32 $0x0;
	[tilespmem:s1+$0x5000] =	vst v7;
	s31 =	spop (v2sf)  }
.LBB2_27:
0x14d: {  	v7 =	vadd.s32 s0, v2;
	_ =	sdelay $0x4  }
0x14e: {  	v8 =	vld.idx.msk [tilespmem:v7+s10+$0x0], $0xffff;
	_ =	sdelay $0x4  }
0x14f: {  	v9 =	vshrl.u32 v8, $0xC  }
0x150: {  	v9 =	vand.u32 $0xFF0, v9  }
0x151: {  	v9 =	vxor.u32 v3, v9;
	_ =	sdelay $0x4  }
0x152: {  	v10 =	vld.idx.msk [tilespmem:v9+s15+$0x0], $0xffff;
	_ =	sdelay $0x3  }
0x153: {  	p0 =	sne.s32 s0, $0x13F;
	v7 =	vld.idx.msk [tilespmem:v7+s9+$0x0], $0xffff  }
.Ltmp13:
0x154: {  	_ = 	snop;
	(pc) =	sbr.rel @p0 .LBB2_27-.Ltmp13, $4  }
0x155: {  	_ = 	snop  }
0x156: {  	[tilespmem:v9+s15+$0x0] =	vst.idx.add.s32.msk $0xffff, v4  }
0x157: {  	[tilespmem:v10+s11+$0x0] =	vst.idx.msk $0xffff, v8  }
0x158: {  	s0 =	sadd.s32 $0x1, s0;
	[tilespmem:v10+s13+$0x0] =	vst.idx.msk $0xffff, v7  }
0x159: {  	s1 =	simm.s32 $0x5040  }
0x15a: {  	[tilespmem:s1+$0xFFFFFFC0] =	vst v1  }
0x15b: {  	[tilespmem:s1+$0x30] =	vst v1  }
0x15c: {  	[tilespmem:s1+$0x20] =	vst v1  }
0x15d: {  	[tilespmem:s1+$0x10] =	vst v1  }
0x15e: {  	[tilespmem:s1+$0x0] =	vst v1  }
0x15f: {  	[tilespmem:s1+$0xFFFFFFF0] =	vst v1  }
0x160: {  	s0 =	simm.s32 $0x0;
	[tilespmem:s1+$0xFFFFFFE0] =	vst v1  }
.LBB2_29:
0x161: {  	s0 =	sadd.s32 $0x8, s0;
	[tilespmem:s1+$0xFFFFFFD0] =	vst v1;
	s1 =	sadd.s32 $0x80, s1  }
0x162: {  	[tilespmem:s1+$0xFFFFFFC0] =	vst v1;
	p0 =	slt.u32 s0, $0xF8  }
0x163: {  	[tilespmem:s1+$0x30] =	vst v1  }
.Ltmp14:
0x164: {  	[tilespmem:s1+$0x20] =	vst v1;
	(pc) =	sbr.rel @p0 .LBB2_29-.Ltmp14, $4  }
0x165: {  	[tilespmem:s1+$0x10] =	vst v1  }
0x166: {  	[tilespmem:s1+$0x0] =	vst v1  }
0x167: {  	[tilespmem:s1+$0xFFFFFFF0] =	vst v1  }
0x168: {  	[tilespmem:s1+$0xFFFFFFE0] =	vst v1  }
0x169: {  	s0 =	simm.s32 $0x0  }
0x16a: {  	v7 =	vadd.s32 s0, v2;
	_ =	sdelay $0x1  }
0x16b: {  	s3 =	simm.s32 $0x3  }
0x16c: {  	s22 =	simm.s32 $0x2;
	v8 =	vadd.s32 s3, v2  }
0x16d: {  	[tilespmem:s1+$0xFFFFFFD0] =	vst v1;
	s23 =	simm.s32 $0x1;
	v9 =	vadd.s32 s22, v2  }
0x16e: {  	v10 =	vadd.s32 s23, v2;
	v7 =	vld.idx.msk [tilespmem:v7+s11+$0x0], $0xffff;
	_ =	sdelay $0x1  }
0x16f: {  	s24 =	simm.s32 $0x4  }
0x170: {  	v11 =	vadd.s32 s24, v2;
	v8 =	vld.idx.msk [tilespmem:v8+s11+$0x0], $0xffff  }
0x171: {  	s25 =	simm.s32 $0x7;
	v9 =	vld.idx.msk [tilespmem:v9+s11+$0x0], $0xffff  }
0x172: {  	s26 =	simm.s32 $0x6;
	v12 =	vadd.s32 s25, v2;
	v10 =	vld.idx.msk [tilespmem:v10+s11+$0x0], $0xffff;
	v7 =	vxor.u32 $0xFFFFFFFF, v7  }
0x173: {  	s28 =	simm.s32 $0x5;
	v13 =	vadd.s32 s26, v2;
	v7 =	vshrl.u32 v7, $0x14  }
0x174: {  	s29 =	simm.s32 $0x8;
	v15 =	vadd.s32 s28, v2;
	v7 =	vand.u32 $0xFF0, v7  }
0x175: {  	s30 =	simm.s32 $0xB;
	v17 =	vadd.s32 s29, v2;
	v16 =	vld.idx.msk [tilespmem:v11+s11+$0x0], $0xffff;
	v18 =	vor.u32 v0, v7;
	v7 =	vxor.u32 $0xFFFFFFFF, v8  }
0x176: {  	v11 =	vadd.s32 s30, v2;
	v8 =	vxor.u32 $0xFFFFFFFF, v9;
	v7 =	vshrl.u32 v7, $0x14  }
0x177: {  	v14 =	vld.idx.msk [tilespmem:v12+s11+$0x0], $0xffff;
	v9 =	vxor.u32 $0xFFFFFFFF, v10;
	v8 =	vshrl.u32 v8, $0x14;
	v7 =	vand.u32 $0xFF0, v7  }
0x178: {  	v12 =	vld.idx.msk [tilespmem:v13+s11+$0x0], $0xffff;
	v9 =	vshrl.u32 v9, $0x14;
	v8 =	vand.u32 $0xFF0, v8;
	v10 =	vor.u32 v0, v7  }
0x179: {  	v13 =	vld.idx.msk [tilespmem:v15+s11+$0x0], $0xffff;
	v9 =	vand.u32 $0xFF0, v9;
	v8 =	vor.u32 v0, v8  }
0x17a: {  	s31 =	simm.s32 $0xA;
	v16 =	vxor.u32 $0xFFFFFFFF, v16;
	v7 =	vld.idx.msk [tilespmem:v17+s11+$0x0], $0xffff;
	v9 =	vor.u32 v0, v9  }
0x17b: {  	s1 =	simm.s32 $0xC;
	s3 =	simm.s32 $0x9;
	v15 =	vadd.s32 s31, v2;
	v16 =	vshrl.u32 v16, $0x14;
	[tilespmem:v18+s15+$0x0] =	vst.idx.add.s32.msk $0xffff, v4  }
.LBB2_31:
0x17c: {  	p0 =	slt.u32 s1, $0x13C;
	v17 =	vadd.s32 s3, v2;
	v18 =	vld.idx.msk [tilespmem:v11+s11+$0x0], $0xffff;
	v11 =	vand.u32 $0xFF0, v16  }
0x17d: {  	v16 =	vadd.s32 s1, v2;
	s3 =	sadd.s32 $0x3, s1;
	v14 =	vxor.u32 $0xFFFFFFFF, v14;
	v19 =	vor.u32 v0, v11;
	[tilespmem:v10+s15+$0x0] =	vst.idx.add.s32.msk $0xffff, v4  }
0x17e: {  	v11 =	vadd.s32 s3, v2;
	v10 =	vxor.u32 $0xFFFFFFFF, v12;
	v12 =	vshrl.u32 v14, $0x14;
	[tilespmem:v8+s15+$0x0] =	vst.idx.add.s32.msk $0xffff, v4  }
.Ltmp15:
0x17f: {  	v8 =	vxor.u32 $0xFFFFFFFF, v13;
	v10 =	vshrl.u32 v10, $0x14;
	v13 =	vand.u32 $0xFF0, v12;
	[tilespmem:v9+s15+$0x0] =	vst.idx.add.s32.msk $0xffff, v4;
	(pc) =	sbr.rel @p0 .LBB2_31-.Ltmp15, $4  }
0x180: {  	v8 =	vshrl.u32 v8, $0x14;
	v9 =	vand.u32 $0xFF0, v10;
	v10 =	vor.u32 v0, v13;
	v12 =	vld.idx.msk [tilespmem:v15+s11+$0x0], $0xffff  }
0x181: {  	v15 =	vand.u32 $0xFF0, v8;
	v8 =	vor.u32 v0, v9;
	v13 =	vld.idx.msk [tilespmem:v17+s11+$0x0], $0xffff  }
0x182: {  	s4 =	sadd.s32 $0x2, s1;
	v17 =	vxor.u32 $0xFFFFFFFF, v7;
	v9 =	vor.u32 v0, v15;
	v14 =	vmov v18;
	v7 =	vld.idx.msk [tilespmem:v16+s11+$0x0], $0xffff  }
0x183: {  	s3 =	sadd.s32 $0x1, s1;
	s1 =	sadd.s32 $0x4, s1;
	v15 =	vadd.s32 s4, v2;
	v16 =	vshrl.u32 v17, $0x14;
	[tilespmem:v19+s15+$0x0] =	vst.idx.add.s32.msk $0xffff, v4  }
0x184: {  	_ = 	snop  }
0x185: {  	v17 =	vadd.s32 s3, v2;
	_ =	sdelay $0x1  }
0x186: {  	v16 =	vand.u32 $0xFF0, v16  }
0x187: {  	v11 =	vld.idx.msk [tilespmem:v11+s11+$0x0], $0xffff;
	v14 =	vxor.u32 $0xFFFFFFFF, v14;
	v16 =	vor.u32 v0, v16  }
0x188: {  	v15 =	vld.idx.msk [tilespmem:v15+s11+$0x0], $0xffff;
	v12 =	vxor.u32 $0xFFFFFFFF, v12;
	v14 =	vshrl.u32 v14, $0x14;
	v13 =	vxor.u32 $0xFFFFFFFF, v13  }
0x189: {  	v12 =	vshrl.u32 v12, $0x14;
	v14 =	vand.u32 $0xFF0, v14;
	v13 =	vshrl.u32 v13, $0x14;
	v17 =	vld.idx.msk [tilespmem:v17+s11+$0x0], $0xffff  }
0x18a: {  	v12 =	vand.u32 $0xFF0, v12;
	v14 =	vor.u32 v0, v14;
	v7 =	vxor.u32 $0xFFFFFFFF, v7  }
0x18b: {  	v13 =	vand.u32 $0xFF0, v13;
	v12 =	vor.u32 v0, v12;
	v7 =	vshrl.u32 v7, $0x14  }
0x18c: {  	[tilespmem:v10+s15+$0x0] =	vst.idx.add.s32.msk $0xffff, v4;
	v62 =	vor.u32 v0, v13;
	v7 =	vand.u32 $0xFF0, v7;
	v11 =	vxor.u32 $0xFFFFFFFF, v11  }
0x18d: {  	[tilespmem:v8+s15+$0x0] =	vst.idx.add.s32.msk $0xffff, v4;
	v8 =	vxor.u32 $0xFFFFFFFF, v15;
	v7 =	vor.u32 v0, v7;
	v11 =	vshrl.u32 v11, $0x14  }
0x18e: {  	[tilespmem:v9+s15+$0x0] =	vst.idx.add.s32.msk $0xffff, v4;
	v8 =	vshrl.u32 v8, $0x14;
	v11 =	vand.u32 $0xFF0, v11;
	v63 =	vxor.u32 $0xFFFFFFFF, v17  }
0x18f: {  	[tilespmem:v16+s15+$0x0] =	vst.idx.add.s32.msk $0xffff, v4;
	v8 =	vand.u32 $0xFF0, v8;
	v11 =	vor.u32 v0, v11;
	v9 =	vshrl.u32 v63, $0x14  }
0x190: {  	[tilespmem:v14+s15+$0x0] =	vst.idx.add.s32.msk $0xffff, v4;
	v8 =	vor.u32 v0, v8;
	v9 =	vand.u32 $0xFF0, v9  }
0x191: {  	[tilespmem:v12+s15+$0x0] =	vst.idx.add.s32.msk $0xffff, v4;
	v9 =	vor.u32 v0, v9  }
0x192: {  	[tilespmem:v62+s15+$0x0] =	vst.idx.add.s32.msk $0xffff, v4  }
0x193: {  	[tilespmem:v7+s15+$0x0] =	vst.idx.add.s32.msk $0xffff, v4  }
0x194: {  	[tilespmem:v11+s15+$0x0] =	vst.idx.add.s32.msk $0xffff, v4  }
0x195: {  	[tilespmem:v8+s15+$0x0] =	vst.idx.add.s32.msk $0xffff, v4  }
0x196: {  	s4 =	simm.s32 $0x0;
	[tilespmem:v9+s15+$0x0] =	vst.idx.add.s32.msk $0xffff, v4  }
0x197: {  	v7 =	vld [tilespmem:s4+$0x5000];
	_ =	sdelay $0x4  }
0x198: {  	(xrf0) =	vadd.scan.msk.s32 $0xffff, v7;
	_ =	sdelay $0x5  }
0x199: {  	v8, _, _ =	vpop (xrf0)  }
0x19a: {  	(v2sf) =	vpush v8, $0xF  }
0x19b: {  	v7 =	vsub.s32 s0, v7  }
0x19c: {  	v7 =	vadd.s32 v8, v7  }
0x19d: {  	s1 =	simm.s32 $0x10;
	s3 =	simm.s32 $0x80;
	[tilespmem:s4+$0x5000] =	vst v7  }
.LBB2_33:
0x19e: {  	p0 =	sne.s32 s3, $0x3FC0;
	v7 =	vld [tilespmem:s1+$0x5000];
	_ =	sdelay $0x4  }
0x19f: {  	(xrf0) =	vadd.scan.msk.s32 $0xffff, v7;
	_ =	sdelay $0x5  }
.Ltmp16:
0x1a0: {  	v8, _, _ =	vpop (xrf0);
	s4 =	spop (v2sf);
	(pc) =	sbr.rel @p0 .LBB2_33-.Ltmp16, $4  }
0x1a1: {  	(v2sf) =	vpush v8, $0xF;
	s0 =	sadd.s32 s0, s4  }
0x1a2: {  	v7 =	vsub.s32 s0, v7  }
0x1a3: {  	v7 =	vadd.s32 v8, v7  }
0x1a4: {  	[tilespmem:s1+$0x5000] =	vst v7;
	s1 =	sshra.s32 s3, $0x2;
	s3 =	sadd.s32 $0x40, s3  }
0x1a5: {  	v7 =	vld [tilespmem:s1+$0x5000];
	_ =	sdelay $0x4  }
0x1a6: {  	(xrf0) =	vadd.scan.msk.s32 $0xffff, v7;
	_ =	sdelay $0x5  }
0x1a7: {  	v8, _, _ =	vpop (xrf0)  }
0x1a8: {  	(v2sf) =	vpush v8, $0xF;
	_ =	sdelay $0xa  }
0x1a9: {  	s3 =	spop (v2sf)  }
0x1aa: {  	s0 =	sadd.s32 s0, s3  }
0x1ab: {  	v7 =	vsub.s32 s0, v7  }
0x1ac: {  	v7 =	vadd.s32 v8, v7  }
0x1ad: {  	s0 =	simm.s32 $0x0;
	[tilespmem:s1+$0x5000] =	vst v7;
	s1 =	simm.s32 $0x0;
	s31 =	spop (v2sf)  }
.LBB2_35:
0x1ae: {  	v7 =	vadd.s32 s1, v2;
	_ =	sdelay $0x4  }
0x1af: {  	v8 =	vld.idx.msk [tilespmem:v7+s11+$0x0], $0xffff;
	_ =	sdelay $0x4  }
0x1b0: {  	v9 =	vxor.u32 $0xFFFFFFFF, v8  }
0x1b1: {  	v9 =	vshrl.u32 v9, $0x14  }
0x1b2: {  	v9 =	vand.u32 $0xFF0, v9  }
0x1b3: {  	v9 =	vor.u32 v0, v9;
	_ =	sdelay $0x4  }
0x1b4: {  	v10 =	vld.idx.msk [tilespmem:v9+s15+$0x0], $0xffff;
	_ =	sdelay $0x3  }
0x1b5: {  	p0 =	sne.s32 s1, $0x13F;
	v7 =	vld.idx.msk [tilespmem:v7+s13+$0x0], $0xffff  }
.Ltmp17:
0x1b6: {  	_ = 	snop;
	(pc) =	sbr.rel @p0 .LBB2_35-.Ltmp17, $4  }
0x1b7: {  	_ = 	snop  }
0x1b8: {  	[tilespmem:v9+s15+$0x0] =	vst.idx.add.s32.msk $0xffff, v4  }
0x1b9: {  	[tilespmem:v10+s0+$0x0] =	vst.idx.msk $0xffff, v8  }
0x1ba: {  	s1 =	sadd.s32 $0x1, s1;
	[tilespmem:v10+s9+$0x0] =	vst.idx.msk $0xffff, v7  }
0x1bb: {  	s1 =	sand.u32 $0x40, s0;
	s3 =	sand.u32 $0x1F80, s0  }
0x1bc: {  	s3 =	sadd.s32 $0x1400, s3;
	s4 =	sor.u32 $0x30, s1  }
0x1bd: {  	s22 =	sor.u32 $0x10, s1;
	s5 =	sor.u32 s4, s3  }
0x1be: {  	s2 =	sor.u32 s22, s3;
	v7 =	vld [tilespmem:s5+$0x0]  }
0x1bf: {  	v8 =	vld [tilespmem:s2+$0x0]  }
0x1c0: {  	s13 =	sor.u32 $0x20, s1  }
0x1c1: {  	s6 =	simm.s32 $0x40;
	s3 =	sor.u32 s13, s3  }
0x1c2: {  	s24 =	sand.u32 $0x40, s6;
	v10 =	vld [tilespmem:s3+$0x0];
	s3 =	sand.u32 $0x1F80, s6  }
0x1c3: {  	s9 =	simm.s32 $0x0;
	s7 =	sadd.s32 $0x1400, s3;
	s3 =	sor.u32 $0x30, s24;
	v7 =	vshll.u32 v7, $0x2  }
0x1c4: {  	v26 =	vld [tilespmem:s9+$0x1400];
	s14 =	sor.u32 $0x10, s24;
	s6 =	sor.u32 s3, s7;
	v8 =	vshll.u32 v8, $0x2  }
0x1c5: {  	s19 =	sor.u32 $0x20, s24;
	s8 =	sor.u32 s14, s7;
	v18 =	vld [tilespmem:s6+$0x0];
	v9 =	vor.u32 $0x2, v7  }
0x1c6: {  	s5 =	sor.u32 s19, s7;
	v20 =	vld [tilespmem:s8+$0x0];
	v11 =	vor.u32 $0x3, v7  }
0x1c7: {  	v21 =	vld [tilespmem:s5+$0x0];
	v12 =	vor.u32 $0x1, v7  }
0x1c8: {  	v13 =	vor.u32 $0x2, v8;
	v7 =	vld.idx.msk [tilespmem:v7+s12+$0x0], $0xffff  }
0x1c9: {  	v10 =	vshll.u32 v10, $0x2;
	v14 =	vor.u32 $0x3, v8;
	v17 =	vor.u32 $0x1, v8;
	v8 =	vld.idx.msk [tilespmem:v8+s12+$0x0], $0xffff  }
0x1ca: {  	v15 =	vor.u32 $0x2, v10;
	v9 =	vld.idx.msk [tilespmem:v9+s12+$0x0], $0xffff  }
0x1cb: {  	v16 =	vor.u32 $0x3, v10;
	v11 =	vld.idx.msk [tilespmem:v11+s12+$0x0], $0xffff  }
0x1cc: {  	v12 =	vld.idx.msk [tilespmem:v12+s12+$0x0], $0xffff  }
0x1cd: {  	v19 =	vor.u32 $0x1, v10;
	v13 =	vld.idx.msk [tilespmem:v13+s12+$0x0], $0xffff  }
0x1ce: {  	v18 =	vshll.u32 v18, $0x2;
	v14 =	vld.idx.msk [tilespmem:v14+s12+$0x0], $0xffff  }
0x1cf: {  	v20 =	vshll.u32 v20, $0x2;
	v15 =	vld.idx.msk [tilespmem:v15+s12+$0x0], $0xffff  }
0x1d0: {  	v22 =	vor.u32 $0x2, v18;
	v16 =	vld.idx.msk [tilespmem:v16+s12+$0x0], $0xffff  }
0x1d1: {  	v23 =	vor.u32 $0x3, v18;
	v17 =	vld.idx.msk [tilespmem:v17+s12+$0x0], $0xffff  }
0x1d2: {  	v27 =	vor.u32 $0x1, v18;
	v19 =	vld.idx.msk [tilespmem:v19+s12+$0x0], $0xffff  }
0x1d3: {  	v21 =	vshll.u32 v21, $0x2;
	v18 =	vld.idx.msk [tilespmem:v18+s12+$0x0], $0xffff  }
0x1d4: {  	v26 =	vshll.u32 v26, $0x2;
	v29 =	vor.u32 $0x3, v21;
	v37 =	vld.idx.msk [tilespmem:v20+s12+$0x0], $0xffff  }
0x1d5: {  	v28 =	vor.u32 $0x3, v20;
	v22 =	vld.idx.msk [tilespmem:v22+s12+$0x0], $0xffff;
	v9 =	vmul.f32 $5.000000000e-01, v9;
	v11 =	vmul.f32 $5.000000000e-01, v11  }
0x1d6: {  	v32 =	vor.u32 $0x1, v21;
	v23 =	vld.idx.msk [tilespmem:v23+s12+$0x0], $0xffff;
	v13 =	vmul.f32 $5.000000000e-01, v13;
	v14 =	vmul.f32 $5.000000000e-01, v14  }
0x1d7: {  	v27 =	vld.idx.msk [tilespmem:v27+s12+$0x0], $0xffff;
	v15 =	vmul.f32 $5.000000000e-01, v15;
	v16 =	vmul.f32 $5.000000000e-01, v16;
	v24 =	vsub.f32 v7, v9  }
0x1d8: {  	s10 =	sand.u32 $0x7E00, s0;
	v25 =	vsub.f32 v12, v11;
	v7 =	vadd.f32 v9, v7;
	v9 =	vld.idx.msk [tilespmem:v10+s12+$0x0], $0xffff;
	v10 =	vor.u32 $0x2, v20  }
0x1d9: {  	p0 =	por $0x0, $0x0;
	s9 =	sadd.s32 $0xB000, s10;
	s5 =	simm.s32 $0x1;
	v29 =	vld.idx.msk [tilespmem:v29+s12+$0x0], $0xffff;
	v11 =	vadd.f32 v11, v12;
	v31 =	vsub.f32 v8, v13;
	v24 =	vmul.f32 v24, v6  }
0x1da: {  	s4 =	sor.u32 s4, s9;
	s5 =	simm.s32 @!p0 $0x0;
	v28 =	vld.idx.msk [tilespmem:v28+s12+$0x0], $0xffff;
	v12 =	vor.u32 $0x2, v21;
	v30 =	vsub.f32 v17, v14;
	v25 =	vmul.f32 v25, v5  }
0x1db: {  	s11 =	sshll.u32 s5, $0x6;
	v14 =	vadd.f32 v14, v17;
	v17 =	vsub.f32 v19, v16;
	v31 =	vmul.f32 v31, v6;
	[tilespmem:s4+$0x0] =	vst v24  }
0x1dc: {  	s17 =	simm.s32 $0x80;
	s22 =	sor.u32 s22, s9;
	s10 =	sadd.s32 $0x0, s11;
	v8 =	vadd.f32 v13, v8;
	v16 =	vadd.f32 v16, v19;
	v13 =	vmul.f32 v30, v5;
	[tilespmem:s4+$0x80] =	vst v25  }
0x1dd: {  	s21 =	sand.u32 $0x40, s17;
	s0 =	sadd.s32 $0x30, s10;
	v21 =	vld.idx.msk [tilespmem:v21+s12+$0x0], $0xffff;
	v19 =	vmul.f32 $5.000000000e-01, v23;
	v7 =	vmul.f32 v7, v6;
	v24 =	vor.u32 $0x2, v26;
	[tilespmem:s22+$0x0] =	vst v31  }
0x1de: {  	s18 =	sand.u32 $0x1F80, s17;
	s7 =	sadd.s32 $0x10, s10;
	s16 =	sor.u32 $0x100, s0;
	v29 =	vmul.f32 $5.000000000e-01, v29;
	v11 =	vmul.f32 v11, v5;
	v25 =	vor.u32 $0x3, v26;
	[tilespmem:s22+$0x80] =	vst v13;
	v10 =	vld.idx.msk [tilespmem:v10+s12+$0x0], $0xffff  }
0x1df: {  	s20 =	sor.u32 $0x180, s0;
	s0 =	sor.u32 $0x30, s21;
	v8 =	vmul.f32 v8, v6;
	v14 =	vmul.f32 v14, v5;
	s4 =	sadd.s32 $0x1400, s18;
	[tilespmem:s16+$0xB000] =	vst v7;
	v7 =	vor.u32 $0x1, v20;
	v12 =	vld.idx.msk [tilespmem:v12+s12+$0x0], $0xffff  }
0x1e0: {  	s8 =	sor.u32 $0x100, s7;
	v30 =	vsub.f32 v9, v15;
	v9 =	vadd.f32 v15, v9;
	s23 =	sor.u32 s0, s4;
	v20 =	vld.idx.msk [tilespmem:v26+s12+$0x0], $0xffff;
	[tilespmem:s20+$0xB000] =	vst v11;
	v11 =	vmul.f32 $5.000000000e-01, v22  }
0x1e1: {  	v17 =	vmul.f32 v17, v5;
	v16 =	vmul.f32 v16, v5;
	[tilespmem:s8+$0xB000] =	vst v8;
	v22 =	vld [tilespmem:s23+$0x0]  }
0x1e2: {  	s28 =	simm.s32 $0x100;
	s23 =	sor.u32 $0x10, s21;
	v33 =	vmul.f32 v9, v6;
	v23 =	vsub.f32 v18, v11;
	v8 =	vadd.f32 v11, v18;
	v15 =	vld.idx.msk [tilespmem:v24+s12+$0x0], $0xffff  }
0x1e3: {  	s6 =	simm.s32 $0x1;
	s22 =	sor.u32 $0x20, s21;
	s25 =	sor.u32 s23, s4;
	v24 =	vmul.f32 v30, v6;
	v25 =	vld.idx.msk [tilespmem:v25+s12+$0x0], $0xffff;
	v30 =	vsub.f32 v27, v19;
	v35 =	vmul.f32 $5.000000000e-01, v10  }
0x1e4: {  	p0 =	por !p0, !p0;
	s5 =	sor.u32 s13, s9;
	s26 =	sor.u32 s22, s4;
	v11 =	vadd.f32 v19, v27;
	v9 =	vmul.f32 v23, v6;
	v10 =	vmul.f32 $5.000000000e-01, v28;
	v28 =	vld [tilespmem:s25+$0x0]  }
0x1e5: {  	s6 =	simm.s32 @!p0 $0x0;
	s7 =	sor.u32 $0x180, s7;
	v31 =	vor.u32 $0x1, v26;
	[tilespmem:s5+$0x80] =	vst v17;
	s20 =	sand.u32 $0x7E00, s28;
	v19 =	vld [tilespmem:s26+$0x0];
	v8 =	vmul.f32 v8, v6;
	v13 =	vmul.f32 v30, v5  }
0x1e6: {  	s6 =	sshll.u32 s6, $0x6;
	[tilespmem:s7+$0xB000] =	vst v14;
	s2 =	sadd.s32 $0xB000, s20;
	v7 =	vld.idx.msk [tilespmem:v7+s12+$0x0], $0xffff;
	v30 =	vmul.f32 $5.000000000e-01, v12;
	v27 =	vshll.u32 v22, $0x2;
	v22 =	vmul.f32 v11, v5  }
0x1e7: {  	s11 =	simm.s32 $0x40;
	s6 =	sadd.s32 $0x100, s6;
	s3 =	sor.u32 s3, s2;
	v23 =	vld.idx.msk [tilespmem:v32+s12+$0x0], $0xffff;
	[tilespmem:s5+$0x0] =	vst v24;
	v63 =	vor.u32 $0x2, v27;
	v26 =	vsub.f32 v37, v35;
	v35 =	vadd.f32 v35, v37  }
0x1e8: {  	v34 =	vld [tilespmem:s11+$0x1400];
	s13 =	sadd.s32 $0x30, s6;
	[tilespmem:s3+$0x0] =	vst v9;
	v36 =	vor.u32 $0x3, v27;
	v32 =	vsub.f32 v21, v30;
	v30 =	vadd.f32 v30, v21  }
0x1e9: {  	s18 =	sadd.s32 $0x20, s10;
	s16 =	sor.u32 $0x100, s13;
	[tilespmem:s3+$0x80] =	vst v13;
	v12 =	vmul.f32 $5.000000000e-01, v25;
	v25 =	vor.u32 $0x1, v27;
	v9 =	vshll.u32 v28, $0x2  }
0x1ea: {  	s20 =	sor.u32 $0x100, s18;
	v11 =	vmul.f32 $5.000000000e-01, v15;
	[tilespmem:s16+$0xB000] =	vst v8;
	v15 =	vld.idx.msk [tilespmem:v31+s12+$0x0], $0xffff;
	v8 =	vshll.u32 v19, $0x2;
	v39 =	vor.u32 $0x2, v9  }
0x1eb: {  	s30 =	sor.u32 s1, s9;
	s9 =	simm.s32 $0x8;
	s7 =	sor.u32 $0x180, s18;
	[tilespmem:s20+$0xB000] =	vst v33;
	v35 =	vmul.f32 v35, v6;
	v38 =	vsub.f32 v7, v10;
	v40 =	vor.u32 $0x3, v9;
	v28 =	vld.idx.msk [tilespmem:v27+s12+$0x0], $0xffff  }
0x1ec: {  	s31 =	sor.u32 $0x100, s10;
	s17 =	sor.u32 $0x180, s13;
	s26 =	sadd.s32 $0x20, s6;
	[tilespmem:s7+$0xB000] =	vst v16;
	v18 =	vadd.f32 v10, v7;
	v14 =	vsub.f32 v23, v29;
	v24 =	vor.u32 $0x2, v8;
	v31 =	vld.idx.msk [tilespmem:v63+s12+$0x0], $0xffff  }
0x1ed: {  	s29 =	sor.u32 $0x180, s10;
	s25 =	sadd.s32 $0x10, s6;
	s13 =	sor.u32 $0x100, s26;
	[tilespmem:s17+$0xB000] =	vst v22;
	v22 =	vor.u32 $0x3, v8;
	v7 =	vshll.u32 v34, $0x2;
	v16 =	vor.u32 $0x1, v8;
	v33 =	vld.idx.msk [tilespmem:v36+s12+$0x0], $0xffff  }
0x1ee: {  	s1 =	sor.u32 $0x180, s26;
	s26 =	sor.u32 s24, s2;
	s24 =	sor.u32 $0x180, s6;
	v29 =	vadd.f32 v29, v23;
	v17 =	vor.u32 $0x1, v9;
	v19 =	vor.u32 $0x2, v7;
	v25 =	vld.idx.msk [tilespmem:v25+s12+$0x0], $0xffff  }
0x1ef: {  	s10 =	sor.u32 $0x100, s25;
	s3 =	sor.u32 $0x180, s25;
	s25 =	sor.u32 $0x100, s6;
	v13 =	vor.u32 $0x3, v7;
	v10 =	vor.u32 $0x1, v7;
	v36 =	vmul.f32 v26, v6;
	v27 =	vld.idx.msk [tilespmem:v39+s12+$0x0], $0xffff  }
0x1f0: {  	s7 =	sor.u32 s14, s2;
	s14 =	sor.u32 s19, s2;
	s19 =	simm.s32 $0xC0;
	v23 =	vsub.f32 v20, v11;
	v34 =	vmul.f32 v38, v5;
	v21 =	vsub.f32 v15, v12;
	v26 =	vld.idx.msk [tilespmem:v40+s12+$0x0], $0xffff  }
.LBB2_37:
0x1f1: {  	s4 =	sand.u32 $0x40, s19;
	s6 =	sand.u32 $0x1F80, s19;
	v24 =	vld.idx.msk [tilespmem:v24+s12+$0x0], $0xffff;
	v31 =	vmul.f32 $5.000000000e-01, v31;
	[tilespmem:s7+$0x0] =	vst v36;
	v20 =	vadd.f32 v11, v20;
	v15 =	vadd.f32 v12, v15  }
0x1f2: {  	v12 =	vmul.f32 $5.000000000e-01, v33;
	v18 =	vmul.f32 v18, v5;
	s5 =	sor.u32 $0x10, s4;
	s11 =	sadd.s32 $0x1400, s6;
	s6 =	sor.u32 $0x30, s4;
	v11 =	vld.idx.msk [tilespmem:v22+s12+$0x0], $0xffff;
	[tilespmem:s7+$0x80] =	vst v34  }
0x1f3: {  	v32 =	vmul.f32 v32, v6;
	v14 =	vmul.f32 v14, v5;
	s28 =	sadd.s32 $0x100, s28;
	p0 =	por !p0, !p0;
	s7 =	sor.u32 s6, s11;
	v22 =	vsub.f32 v28, v31;
	v19 =	vld.idx.msk [tilespmem:v19+s12+$0x0], $0xffff  }
0x1f4: {  	v33 =	vld [tilespmem:s7+$0x0];
	s7 =	simm.s32 $0x1  }
0x1f5: {  	s9 =	sadd.s32 $0x4, s9;
	v30 =	vmul.f32 v30, v6;
	v29 =	vmul.f32 v29, v5;
	s8 =	sand.u32 $0x7E00, s28;
	v34 =	vsub.f32 v25, v12;
	[tilespmem:s10+$0xB000] =	vst v35;
	s7 =	simm.s32 @!p0 $0x0  }
0x1f6: {  	p1 =	slt.u32 s9, $0x13C;
	s20 =	sadd.s32 $0xB000, s8;
	v28 =	vadd.f32 v31, v28;
	v27 =	vmul.f32 $5.000000000e-01, v27;
	v22 =	vmul.f32 v22, v6;
	s7 =	sshll.u32 s7, $0x6;
	v13 =	vld.idx.msk [tilespmem:v13+s12+$0x0], $0xffff;
	[tilespmem:s3+$0xB000] =	vst v18  }
0x1f7: {  	s8 =	sor.u32 $0x20, s4;
	v12 =	vadd.f32 v12, v25;
	s0 =	sor.u32 s0, s20;
	v18 =	vmul.f32 $5.000000000e-01, v26;
	v26 =	vmul.f32 v34, v5;
	s7 =	sadd.s32 s7, s28;
	v17 =	vld.idx.msk [tilespmem:v17+s12+$0x0], $0xffff;
	[tilespmem:s14+$0x0] =	vst v32  }
0x1f8: {  	s10 =	sor.u32 s8, s11;
	s3 =	sor.u32 s5, s11;
	v37 =	vmul.f32 $5.000000000e-01, v24;
	v35 =	vld.idx.msk [tilespmem:v16+s12+$0x0], $0xffff;
	[tilespmem:s0+$0x0] =	vst v22;
	v16 =	vmul.f32 v28, v6;
	s11 =	sadd.s32 $0x30, s7  }
0x1f9: {  	v12 =	vmul.f32 v12, v5;
	v38 =	vmul.f32 $5.000000000e-01, v11;
	s2 =	sadd.s32 $0x10, s7;
	v22 =	vld [tilespmem:s3+$0x0];
	s3 =	sshra.s32 s28, $0x2;
	[tilespmem:s0+$0x80] =	vst v26;
	s0 =	sor.u32 $0x100, s11  }
0x1fa: {  	s16 =	sadd.s32 $0x20, s7;
	v11 =	vmul.f32 $5.000000000e-01, v19;
	v25 =	vshll.u32 v33, $0x2;
	v24 =	vld [tilespmem:s10+$0x0];
	s10 =	sor.u32 $0x100, s2;
	[tilespmem:s0+$0xB000] =	vst v16;
	s0 =	sor.u32 $0x180, s11;
	v16 =	vmul.f32 v23, v6  }
0x1fb: {  	v21 =	vmul.f32 v21, v5;
	v26 =	vmul.f32 v20, v6;
	v19 =	vor.u32 $0x2, v25;
	s11 =	sor.u32 $0x180, s16;
	v23 =	vld [tilespmem:s3+$0x1400];
	s3 =	sor.u32 $0x180, s2;
	s2 =	sor.u32 $0x100, s16;
	[tilespmem:s0+$0xB000] =	vst v12  }
0x1fc: {  	v34 =	vmul.f32 v15, v5;
	s18 =	sor.u32 $0x100, s7;
	s17 =	sor.u32 $0x180, s7;
	v28 =	vor.u32 $0x3, v25;
	s16 =	sor.u32 s21, s20;
	v12 =	vmul.f32 $5.000000000e-01, v13;
	v32 =	vld.idx.msk [tilespmem:v9+s12+$0x0], $0xffff;
	[tilespmem:s14+$0x80] =	vst v14  }
0x1fd: {  	s7 =	sor.u32 s23, s20;
	s21 =	smov.u32 s4;
	v36 =	vsub.f32 v17, v18;
	v18 =	vadd.f32 v18, v17;
	s14 =	sor.u32 s22, s20;
	v39 =	vld.idx.msk [tilespmem:v8+s12+$0x0], $0xffff;
	[tilespmem:s13+$0xB000] =	vst v30  }
0x1fe: {  	s23 =	smov.u32 s5;
	s0 =	smov.u32 s6;
	s22 =	smov.u32 s8;
	v30 =	vor.u32 $0x1, v25;
	v14 =	vsub.f32 v35, v38;
	v9 =	vshll.u32 v22, $0x2;
	v15 =	vld.idx.msk [tilespmem:v10+s12+$0x0], $0xffff;
	[tilespmem:s1+$0xB000] =	vst v29  }
0x1ff: {  	s13 =	smov.u32 s2;
	s1 =	smov.u32 s11;
	v29 =	vor.u32 $0x2, v9;
	v40 =	vor.u32 $0x3, v9;
	v8 =	vshll.u32 v24, $0x2;
	v20 =	vld.idx.msk [tilespmem:v7+s12+$0x0], $0xffff;
	[tilespmem:s30+$0x0] =	vst v16  }
0x200: {  	v24 =	vor.u32 $0x2, v8;
	v22 =	vor.u32 $0x3, v8;
	v31 =	vld.idx.msk [tilespmem:v19+s12+$0x0], $0xffff;
	v7 =	vshll.u32 v23, $0x2;
	[tilespmem:s30+$0x80] =	vst v21;
	s30 =	smov.u32 s26;
	s26 =	smov.u32 s16  }
.Ltmp18:
0x201: {  	v17 =	vor.u32 $0x1, v9;
	v33 =	vld.idx.msk [tilespmem:v28+s12+$0x0], $0xffff;
	v19 =	vor.u32 $0x2, v7;
	v13 =	vor.u32 $0x3, v7;
	[tilespmem:s31+$0xB000] =	vst v26;
	s31 =	smov.u32 s25;
	s25 =	smov.u32 s18;
	(pc) =	sbr.rel @p1 .LBB2_37-.Ltmp18, $4  }
0x202: {  	v16 =	vor.u32 $0x1, v8;
	v10 =	vor.u32 $0x1, v7;
	v21 =	vsub.f32 v32, v27;
	v28 =	vld.idx.msk [tilespmem:v25+s12+$0x0], $0xffff;
	[tilespmem:s29+$0xB000] =	vst v34;
	s29 =	smov.u32 s24;
	s24 =	smov.u32 s17  }
0x203: {  	v23 =	vadd.f32 v27, v32;
	v34 =	vmul.f32 v36, v5;
	v32 =	vsub.f32 v39, v37;
	v25 =	vld.idx.msk [tilespmem:v30+s12+$0x0], $0xffff  }
0x204: {  	v36 =	vmul.f32 v21, v6;
	v30 =	vadd.f32 v37, v39;
	v27 =	vld.idx.msk [tilespmem:v29+s12+$0x0], $0xffff;
	v29 =	vadd.f32 v38, v35  }
0x205: {  	s19 =	sadd.s32 $0x40, s19;
	v21 =	vsub.f32 v15, v12;
	v35 =	vmul.f32 v23, v6;
	v23 =	vsub.f32 v20, v11;
	v26 =	vld.idx.msk [tilespmem:v40+s12+$0x0], $0xffff  }
0x206: {  	_ = 	snop  }
0x207: {  	[tilespmem:s7+$0x0] =	vst v36  }
0x208: {  	[tilespmem:s7+$0x80] =	vst v34;
	v18 =	vmul.f32 v18, v5  }
0x209: {  	p0 =	por !p0, !p0;
	s4 =	simm.s32 $0x1;
	v63 =	vmul.f32 v32, v6;
	[tilespmem:s10+$0xB000] =	vst v35  }
0x20a: {  	v24 =	vld.idx.msk [tilespmem:v24+s12+$0x0], $0xffff;
	v14 =	vmul.f32 v14, v5;
	s4 =	simm.s32 @!p0 $0x0;
	[tilespmem:s3+$0xB000] =	vst v18  }
0x20b: {  	v31 =	vmul.f32 $5.000000000e-01, v31;
	s2 =	sadd.s32 $0x100, s28;
	v9 =	vld.idx.msk [tilespmem:v9+s12+$0x0], $0xffff;
	v30 =	vmul.f32 v30, v6;
	s4 =	sshll.u32 s4, $0x6;
	[tilespmem:s14+$0x0] =	vst v63  }
0x20c: {  	v33 =	vmul.f32 $5.000000000e-01, v33;
	v17 =	vld.idx.msk [tilespmem:v17+s12+$0x0], $0xffff;
	v11 =	vadd.f32 v11, v20;
	s5 =	sand.u32 $0x7E00, s2;
	v23 =	vmul.f32 v23, v6;
	[tilespmem:s14+$0x80] =	vst v14;
	s8 =	sadd.s32 s4, s2;
	s2 =	sshra.s32 s2, $0x2  }
0x20d: {  	v32 =	vmul.f32 v29, v5;
	v12 =	vadd.f32 v12, v15;
	v21 =	vmul.f32 v21, v5;
	[tilespmem:s13+$0xB000] =	vst v30;
	v62 =	vld [tilespmem:s2+$0x1400]  }
0x20e: {  	v19 =	vld.idx.msk [tilespmem:v19+s12+$0x0], $0xffff;
	v56 =	vsub.f32 v28, v31;
	v57 =	vsub.f32 v25, v33;
	[tilespmem:s30+$0x0] =	vst v23  }
0x20f: {  	v59 =	vadd.f32 v31, v28;
	v11 =	vmul.f32 v11, v6;
	v12 =	vmul.f32 v12, v5;
	[tilespmem:s30+$0x80] =	vst v21  }
0x210: {  	v40 =	vld.idx.msk [tilespmem:v13+s12+$0x0], $0xffff;
	v61 =	vadd.f32 v33, v25;
	v33 =	vmul.f32 $5.000000000e-01, v27;
	v58 =	vmul.f32 v56, v6;
	[tilespmem:s1+$0xB000] =	vst v32  }
0x211: {  	v8 =	vld.idx.msk [tilespmem:v8+s12+$0x0], $0xffff;
	s9 =	sadd.s32 $0xB000, s5;
	v60 =	vmul.f32 v57, v5;
	v28 =	vmul.f32 v59, v6;
	[tilespmem:s31+$0xB000] =	vst v11  }
0x212: {  	v7 =	vld.idx.msk [tilespmem:v7+s12+$0x0], $0xffff;
	s0 =	sor.u32 s0, s9;
	v25 =	vmul.f32 v61, v5;
	v34 =	vmul.f32 $5.000000000e-01, v26;
	[tilespmem:s29+$0xB000] =	vst v12;
	v18 =	vshll.u32 v62, $0x2  }
0x213: {  	v10 =	vld.idx.msk [tilespmem:v10+s12+$0x0], $0xffff;
	s4 =	sadd.s32 $0x30, s8;
	v35 =	vmul.f32 $5.000000000e-01, v24;
	v37 =	vsub.f32 v9, v33;
	[tilespmem:s0+$0x0] =	vst v58;
	v36 =	vor.u32 $0x2, v18  }
0x214: {  	v31 =	vld.idx.msk [tilespmem:v22+s12+$0x0], $0xffff;
	s10 =	sor.u32 $0x100, s4;
	v49 =	vmul.f32 $5.000000000e-01, v19;
	[tilespmem:s0+$0x80] =	vst v60;
	v38 =	vsub.f32 v17, v34;
	v39 =	vor.u32 $0x3, v18  }
0x215: {  	s11 =	sor.u32 $0x180, s4;
	v9 =	vadd.f32 v33, v9;
	v11 =	vmul.f32 $5.000000000e-01, v40;
	[tilespmem:s10+$0xB000] =	vst v28;
	v42 =	vmul.f32 v37, v6  }
0x216: {  	v16 =	vld.idx.msk [tilespmem:v16+s12+$0x0], $0xffff;
	s16 =	sor.u32 s23, s9;
	v45 =	vsub.f32 v8, v35;
	[tilespmem:s11+$0xB000] =	vst v25;
	v44 =	vmul.f32 v38, v5;
	v43 =	vor.u32 $0x1, v18  }
0x217: {  	s17 =	sadd.s32 $0x10, s8;
	v9 =	vmul.f32 v9, v6;
	v53 =	vsub.f32 v7, v49;
	[tilespmem:s16+$0x0] =	vst v42  }
0x218: {  	s18 =	sor.u32 $0x100, s17;
	v54 =	vsub.f32 v10, v11;
	v50 =	vmul.f32 v45, v6;
	[tilespmem:s16+$0x80] =	vst v44;
	v48 =	vld.idx.msk [tilespmem:v36+s12+$0x0], $0xffff  }
0x219: {  	s20 =	sor.u32 s22, s9;
	v15 =	vadd.f32 v34, v17;
	v41 =	vmul.f32 $5.000000000e-01, v31;
	v56 =	vmul.f32 v53, v6;
	[tilespmem:s18+$0xB000] =	vst v9;
	v51 =	vld.idx.msk [tilespmem:v39+s12+$0x0], $0xffff  }
0x21a: {  	v7 =	vadd.f32 v49, v7;
	v57 =	vmul.f32 v54, v5;
	[tilespmem:s20+$0x0] =	vst v50;
	v52 =	vld.idx.msk [tilespmem:v18+s12+$0x0], $0xffff  }
0x21b: {  	v47 =	vmul.f32 v15, v5;
	v46 =	vsub.f32 v16, v41;
	[tilespmem:s26+$0x0] =	vst v56;
	v17 =	vld.idx.msk [tilespmem:v43+s12+$0x0], $0xffff  }
0x21c: {  	s19 =	sor.u32 $0x180, s17;
	v10 =	vadd.f32 v11, v10;
	v7 =	vmul.f32 v7, v6;
	[tilespmem:s26+$0x80] =	vst v57  }
0x21d: {  	v8 =	vadd.f32 v35, v8;
	v12 =	vmul.f32 v46, v5;
	[tilespmem:s19+$0xB000] =	vst v47;
	v55 =	vmul.f32 $5.000000000e-01, v48  }
0x21e: {  	v13 =	vadd.f32 v41, v16;
	v10 =	vmul.f32 v10, v5;
	[tilespmem:s25+$0xB000] =	vst v7;
	v58 =	vmul.f32 $5.000000000e-01, v51  }
0x21f: {  	s22 =	sadd.s32 $0x20, s8;
	v8 =	vmul.f32 v8, v6;
	[tilespmem:s20+$0x80] =	vst v12;
	v59 =	vsub.f32 v52, v55  }
0x220: {  	s23 =	sor.u32 $0x100, s22;
	v13 =	vmul.f32 v13, v5;
	[tilespmem:s24+$0xB000] =	vst v10;
	v60 =	vsub.f32 v17, v58  }
0x221: {  	s0 =	sor.u32 $0x180, s22;
	[tilespmem:s23+$0xB000] =	vst v8;
	v7 =	vadd.f32 v55, v52;
	v61 =	vmul.f32 v59, v6  }
0x222: {  	s25 =	sor.u32 s21, s9;
	[tilespmem:s0+$0xB000] =	vst v13;
	v62 =	vadd.f32 v58, v17;
	v63 =	vmul.f32 v60, v5  }
0x223: {  	v6 =	vmul.f32 v7, v6;
	[tilespmem:s25+$0x0] =	vst v61  }
0x224: {  	s26 =	sor.u32 $0x100, s8;
	v5 =	vmul.f32 v62, v5;
	[tilespmem:s25+$0x80] =	vst v63  }
0x225: {  	s28 =	sor.u32 $0x180, s8;
	[tilespmem:s26+$0xB000] =	vst v6  }
0x226: {  	s3 =	simm.s32 $0x1;
	[tilespmem:s28+$0xB000] =	vst v5  }
0x227: {  	s29 =	simm.s32 $0xB000;
	s10 =	simm.s32 $0x0;
	s0 =	rddreg [dreg:$0x6]  }
0x228: {  	[hbm4b:s0+s10] =	stream.linear.scatter [tilespmem:s29], [sflag:$0x1], $0x5000, $0x38;
	[tilespmem:$0x10100] =	vst v63  }
0x229: {  	_ =	swait.ge [sflag:s3], $0x5000  }
0x22a: {  	s30 =	rddreg [dreg:$0x9]  }
0x22b: {  	s31 =	rddreg [dreg:$0x8];
	s1 =	sadd.s32 $0x1, s30  }
0x22c: {  	p0 =	sne.s32 s1, s31  }
.Ltmp19:
0x22d: {  	_ = 	snop;
	(pc) =	sbr.rel @p0 .LBB2_2-.Ltmp19, $3  }
0x22e: {  	_ =	sdelay $0x1  }
0x22f: {  	s13 =	simm.s32 $0x3C00;
	[sflag:s3] =	ssyncset.done $0x0  }
0x230: {  	s11 =	simm.s32 $0x2800;
	s9 =	simm.s32 $0x1400;
	[sflag:s3] =	ssyncadd.s32 $0xFFFFB000  }
.LBB2_39:
0x231: {  	_ =	sfence.sel $0x180000  }
0x232: {  	[bflag:$0x0] =	sbarrier.arrive $0xFFFF  }
0x233: {  	_ =	strace $0x90000047  }
0x234: {  	s0 =	stileid.u32;
	[bflag:$0x2] =	sbarrier.arrive $0xFFFF  }
0x235: {  	p0 =	sne.s32 s0, $0x0;
	s0 =	rddreg [dreg:$0x2]  }
0x236: {  	s0 =	sadd.s32 @!p0 $0x100000, s0  }
0x237: {  	[sflag:s0] =	ssyncadd.tile.s32 @!p0 $0x1;
	_ =	shalt  }
.Lfunc_end2:
_tile_overlayer_lowered:
.L_overlay_start_2:
0x238: {  	(tag) =	ssettag $0x2  }
0x239: {  	s0 =	rddreg [dreg:$0x0];
	s2 =	stileid.u32  }
0x23a: {  	s1 =	rddreg [dreg:$0x1];
	p0 =	sne.s32 s2, $0x0  }
0x23b: {  	s3 =	rddreg [dreg:$0x2];
	[bflag:$0x3] =	sbarrier.arrive $0xFFFF;
	s2 =	simm.s32 @!p0 $0x1C01  }
0x23c: {  	[timem:s3], [sflag:s2] =	dma.local @!p0 [hbm:s0], s1  }
0x23d: {  	s0 =	simm.s32 @!p0 $0x1  }
0x23e: {  	_ =	swait.ge @!p0 [sflag:s0], s1  }
0x23f: {  	s1 =	ssub.s32 @!p0 $0x0, s1;
	[sflag:s0] =	ssyncset.done @!p0 $0x0  }
0x240: {  	[sflag:s0] =	ssyncadd.s32 @!p0 s1  }
0x241: {  	[bflag:$0x3] =	sbarrier.arrive $0xFFFF  }
0x242: {  	_ =	shalt  }

</sc_bundles>
